<compile_context>
chip_gen: v7x
topology: tpu7x:2x2x1
jax: 0.10.2.dev20260603
libtpu: 0.0.44.dev20260713+nightly
codegen_flags: <defaults>
</compile_context>

<pallas_src>
import functools

import jax
import jax.numpy as jnp
from jax import lax
from jax.experimental import pallas as pl
from jax.experimental.pallas import tpu as pltpu
from jax.experimental.pallas import tpu_sc as plsc

_N = 10000
_E = 320000
_D = 128
_DH = _D // 2
_DE = 16

_NC = 2
_NS = 16
_NW = _NC * _NS
_EPW = _E // _NW
_C = 40
_NCH = _EPW // _C


def _proj_body(node_ref, ws_ref, wr_ref, b_ref, ps_ref, pr_ref):
    n = node_ref[...]
    ps_ref[...] = (
        jnp.dot(n, ws_ref[...], preferred_element_type=jnp.float32) + b_ref[...]
    )
    pr_ref[...] = jnp.dot(n, wr_ref[...], preferred_element_type=jnp.float32)


def _node_projections(node_attr, w_s, w_r, b2):
    return pl.pallas_call(
        _proj_body,
        out_shape=[
            jax.ShapeDtypeStruct((_N, _D), jnp.float32),
            jax.ShapeDtypeStruct((_N, _D), jnp.float32),
        ],
    )(node_attr, w_s, w_r, b2)


def _gather_sum_body(ps_hbm, pr_hbm, s_hbm, r_hbm, out_hbm,
                     sidx, ridx,
                     rs0, rr0, ro0, rs1, rr1, ro1,
                     sem_s0, sem_r0, sem_w0, sem_s1, sem_r1, sem_w1):
    rs = (rs0, rs1)
    rr = (rr0, rr1)
    ro = (ro0, ro1)
    sem_s = (sem_s0, sem_s1)
    sem_r = (sem_r0, sem_r1)
    sem_w = (sem_w0, sem_w1)

    widx = lax.axis_index("s") * _NC + lax.axis_index("c")
    ebase = widx * _EPW
    pltpu.sync_copy(s_hbm.at[pl.ds(ebase, _EPW)], sidx)
    pltpu.sync_copy(r_hbm.at[pl.ds(ebase, _EPW)], ridx)

    def issue_gathers(ci, b):
        cb = ci * _C
        pltpu.async_copy(ps_hbm.at[sidx.at[pl.ds(cb, _C)]], rs[b], sem_s[b])
        pltpu.async_copy(pr_hbm.at[ridx.at[pl.ds(cb, _C)]], rr[b], sem_r[b])

    def wait_gathers(ci, b):
        cb = ci * _C
        pltpu.make_async_copy(
            ps_hbm.at[sidx.at[pl.ds(cb, _C)]], rs[b], sem_s[b]).wait()
        pltpu.make_async_copy(
            pr_hbm.at[ridx.at[pl.ds(cb, _C)]], rr[b], sem_r[b]).wait()

    def out_slice(ci):
        return out_hbm.at[pl.ds(ebase + ci * _C, _C)]

    issue_gathers(0, 0)
    issue_gathers(1, 1)

    def round_body(g, carry):
        for b in range(2):
            ci = 2 * g + b
            wait_gathers(ci, b)

            @pl.when(g > 0)
            def _():
                pltpu.make_async_copy(ro[b], out_slice(ci - 2), sem_w[b]).wait()

            @plsc.parallel_loop(0, _C, 1, unroll=4)
            def _(e):
                sums = []
                for j in range(_D // 16):
                    sl = pl.ds(j * 16, 16)
                    sums.append(rs[b][e, sl] + rr[b][e, sl])
                for j in range(_DH // 16):
                    lo = lax.shift_right_logical(
                        lax.bitcast_convert_type(sums[j], jnp.int32), 16)
                    hi = lax.bitcast_convert_type(
                        sums[j + 4], jnp.int32) & jnp.int32(-65536)
                    ro[b][e, pl.ds(j * 16, 16)] = lo | hi
            pltpu.async_copy(ro[b], out_slice(ci), sem_w[b])

            @pl.when(ci + 2 < _NCH)
            def _():
                issue_gathers(ci + 2, b)
        return carry

    lax.fori_loop(0, _NCH // 2, round_body, 0)
    pltpu.make_async_copy(ro[0], out_slice(_NCH - 2), sem_w[0]).wait()
    pltpu.make_async_copy(ro[1], out_slice(_NCH - 1), sem_w[1]).wait()


def _gather_sum(p_s, p_r, s_idx, r_idx):
    mesh = plsc.VectorSubcoreMesh(core_axis_name="c", subcore_axis_name="s")
    k = functools.partial(
        pl.kernel,
        mesh=mesh,
        out_type=jax.ShapeDtypeStruct((_E, _DH), jnp.int32),
        scratch_types=[
            pltpu.VMEM((_EPW,), jnp.int32),
            pltpu.VMEM((_EPW,), jnp.int32),
            pltpu.VMEM((_C, _D), jnp.float32),
            pltpu.VMEM((_C, _D), jnp.float32),
            pltpu.VMEM((_C, _DH), jnp.int32),
            pltpu.VMEM((_C, _D), jnp.float32),
            pltpu.VMEM((_C, _D), jnp.float32),
            pltpu.VMEM((_C, _DH), jnp.int32),
        ] + [pltpu.SemaphoreType.DMA] * 6,
    )(_gather_sum_body)
    return k(p_s, p_r, s_idx, r_idx)


_BLK = 8000


def _edge_out_body(g_ref, ewa_ref, we_ref, out_ref):
    gw = g_ref[...]
    lo16 = lax.bitcast_convert_type(
        (gw & 0xFFFF).astype(jnp.uint16), jnp.bfloat16)
    hi16 = lax.bitcast_convert_type(
        lax.shift_right_logical(gw, 16).astype(jnp.uint16), jnp.bfloat16)
    ewa16 = ewa_ref[...].astype(jnp.bfloat16)
    we16 = we_ref[...].astype(jnp.bfloat16)
    eb = jnp.dot(ewa16, we16, preferred_element_type=jnp.float32)
    out_ref[...] = eb + jnp.concatenate(
        [lo16.astype(jnp.float32), hi16.astype(jnp.float32)], axis=1)


def _edge_out(g, ewa, w_e):
    return pl.pallas_call(
        _edge_out_body,
        grid=(_E // _BLK,),
        in_specs=[
            pl.BlockSpec((_BLK, _DH), lambda i: (i, 0)),
            pl.BlockSpec((_BLK, _DE), lambda i: (i, 0)),
            pl.BlockSpec((_DE, _D), lambda i: (0, 0)),
        ],
        out_specs=pl.BlockSpec((_BLK, _D), lambda i: (i, 0)),
        out_shape=jax.ShapeDtypeStruct((_E, _D), jnp.float32),
    )(g, ewa, w_e)


def kernel(node_attr, edge_index, edge_attr, edge_world_index, edge_world_attr, W, b):
    w_s = W[:_D]
    w_r = W[_D:2 * _D]
    w_e = W[2 * _D:]
    b2 = b.reshape(1, _D)
    s_idx = edge_world_index[0]
    r_idx = edge_world_index[1]

    p_s, p_r = _node_projections(node_attr, w_s, w_r, b2)
    g = _gather_sum(p_s, p_r, s_idx, r_idx)
    new_edge_world_attr = _edge_out(g, edge_world_attr, w_e)
    return (node_attr, edge_attr, edge_index, edge_world_index, new_edge_world_attr)

# --- scband reference (transcript-rebuilt; emitter-appended) ---
"""Pipeline reference for scband-edge-world-processor-module-52510270161468 (READ-ONLY COPY).

The authoritative reference and input builder live on the scoring server;
editing this copy changes nothing except your own understanding.
"""

import jax, jax.numpy as jnp
import numpy as np

N = 10000
E = 320000
D_FEAT = 128
D_EDGE = 16
IN_DIM = 2 * D_FEAT + D_EDGE  # 272
OUT_DIM = D_FEAT  # 128


def setup_inputs(seed: int = 0) -> dict:
    key = jax.random.key(seed)
    k1, k2, k3, k4, k5, k6, k7 = jax.random.split(key, 7)
    node_attr = jax.random.normal(k1, (N, D_FEAT), dtype=jnp.float32)
    edge_index = jax.random.randint(k2, (2, E), 0, N, dtype=jnp.int32)
    edge_attr = jax.random.normal(k3, (E, D_EDGE), dtype=jnp.float32)
    edge_world_index = jax.random.randint(k4, (2, E), 0, N, dtype=jnp.int32)
    edge_world_attr = jax.random.normal(k5, (E, D_EDGE), dtype=jnp.float32)
    # Learned parameters of self.net, modeled as a single Linear(272 -> 128)
    W = jax.random.normal(k6, (IN_DIM, OUT_DIM), dtype=jnp.float32) * (1.0 / np.sqrt(IN_DIM))
    b = jax.random.normal(k7, (OUT_DIM,), dtype=jnp.float32) * 0.01
    return {
        "node_attr": node_attr,
        "edge_index": edge_index,
        "edge_attr": edge_attr,
        "edge_world_index": edge_world_index,
        "edge_world_attr": edge_world_attr,
        "W": W,
        "b": b,
    }


def reference(node_attr, edge_index, edge_attr, edge_world_index, edge_world_attr, W, b):
    senders_idx = edge_world_index[0]
    receivers_idx = edge_world_index[1]
    senders_attr = jnp.take(node_attr, senders_idx, axis=0)
    receivers_attr = jnp.take(node_attr, receivers_idx, axis=0)
    collected_edges = jnp.concatenate([senders_attr, receivers_attr, edge_world_attr], axis=1)
    new_edge_world_attr = collected_edges @ W + b
    # Mirrors the returned Data(x=node_attr, edge_attr=edge_attr, edge_index=edge_index,
    #                            edge_world_index=edge_world_index, edge_world_attr=_edge_world_attr)
    return (node_attr, edge_attr, edge_index, edge_world_index, new_edge_world_attr)

if __name__ == "__main__":
    import jax
    _d = setup_inputs()
    print(jax.jit(kernel)(*tuple(_d.values())))

</pallas_src>

<mosaic_0001>
#map = affine_map<(d0, d1) -> (0, 0)>
#map1 = affine_map<(d0, d1) -> (0)>
module attributes {stable_mosaic.version = 14 : i64} {
  func.func @_gather_sum_body(%arg0: i32, %arg1: i32, %arg2: memref<10000x128xf32, #tpu.memory_space<hbm>>, %arg3: memref<10000x128xf32, #tpu.memory_space<hbm>>, %arg4: memref<320000xi32, #tpu.memory_space<hbm>>, %arg5: memref<320000xi32, #tpu.memory_space<hbm>>, %arg6: memref<320000x64xi32, #tpu.memory_space<hbm>>, %arg7: memref<10000xi32, #tpu.memory_space<vmem>>, %arg8: memref<10000xi32, #tpu.memory_space<vmem>>, %arg9: memref<40x128xf32, #tpu.memory_space<vmem>>, %arg10: memref<40x128xf32, #tpu.memory_space<vmem>>, %arg11: memref<40x64xi32, #tpu.memory_space<vmem>>, %arg12: memref<40x128xf32, #tpu.memory_space<vmem>>, %arg13: memref<40x128xf32, #tpu.memory_space<vmem>>, %arg14: memref<40x64xi32, #tpu.memory_space<vmem>>, %arg15: memref<!tpu.dma_semaphore, #tpu.memory_space<semaphore_mem>>, %arg16: memref<!tpu.dma_semaphore, #tpu.memory_space<semaphore_mem>>, %arg17: memref<!tpu.dma_semaphore, #tpu.memory_space<semaphore_mem>>, %arg18: memref<!tpu.dma_semaphore, #tpu.memory_space<semaphore_mem>>, %arg19: memref<!tpu.dma_semaphore, #tpu.memory_space<semaphore_mem>>, %arg20: memref<!tpu.dma_semaphore, #tpu.memory_space<semaphore_mem>>) attributes {dimension_semantics = [#tpu.dimension_semantics<core_parallel>, #tpu.dimension_semantics<subcore_parallel>], iteration_bounds = array<i64: 2, 16>, scalar_prefetch = 0 : i64, scratch_operands = 14 : i64, tpu.core_type = #tpu.core_type<sc_vector_subcore>, window_params = [{transform_indices = #map}, {transform_indices = #map}, {transform_indices = #map1}, {transform_indices = #map1}, {transform_indices = #map}]} {
    %mul3A = arith.constant 2 : i32
    %mul3A_0 = arith.muli %arg1, %mul3A : i32
    %add3A = arith.addi %mul3A_0, %arg0 : i32
    %mul3A_1 = arith.constant 10000 : i32
    %mul3A_2 = arith.muli %add3A, %mul3A_1 : i32
    "tpu.region"() ({
      %run_scoped3A = tpu.sem_alloc : memref<!tpu.dma_semaphore, #tpu.memory_space<semaphore_mem>>
      %dma_start3A_38 = tpu.memref_slice %arg4[%mul3A_2] : memref<320000xi32, #tpu.memory_space<hbm>> -> memref<10000xi32, #tpu.memory_space<hbm>>
      %dma_start3A_39 = tpu.memref_slice %arg4[%mul3A_2] : memref<320000xi32, #tpu.memory_space<hbm>> -> memref<10000xi32, #tpu.memory_space<hbm>>
      tpu.enqueue_dma source(%dma_start3A_39 : memref<10000xi32, #tpu.memory_space<hbm>>) target(%arg7 : memref<10000xi32, #tpu.memory_space<vmem>>) target_semaphore(%run_scoped3A : memref<!tpu.dma_semaphore, #tpu.memory_space<semaphore_mem>>)
      %dma_wait3A_40 = tpu.memref_slice %arg4[%mul3A_2] : memref<320000xi32, #tpu.memory_space<hbm>> -> memref<10000xi32, #tpu.memory_space<hbm>>
      %dma_wait3A_41 = tpu.memref_slice %arg4[%mul3A_2] : memref<320000xi32, #tpu.memory_space<hbm>> -> memref<10000xi32, #tpu.memory_space<hbm>>
      tpu.wait_dma2 semaphore(%run_scoped3A : memref<!tpu.dma_semaphore, #tpu.memory_space<semaphore_mem>>) src(%dma_wait3A_41 : memref<10000xi32, #tpu.memory_space<hbm>>) dst(%arg7 : memref<10000xi32, #tpu.memory_space<vmem>>)
      tpu.yield
    }) : () -> ()
    "tpu.region"() ({
      %run_scoped3A = tpu.sem_alloc : memref<!tpu.dma_semaphore, #tpu.memory_space<semaphore_mem>>
      %dma_start3A_38 = tpu.memref_slice %arg5[%mul3A_2] : memref<320000xi32, #tpu.memory_space<hbm>> -> memref<10000xi32, #tpu.memory_space<hbm>>
      %dma_start3A_39 = tpu.memref_slice %arg5[%mul3A_2] : memref<320000xi32, #tpu.memory_space<hbm>> -> memref<10000xi32, #tpu.memory_space<hbm>>
      tpu.enqueue_dma source(%dma_start3A_39 : memref<10000xi32, #tpu.memory_space<hbm>>) target(%arg8 : memref<10000xi32, #tpu.memory_space<vmem>>) target_semaphore(%run_scoped3A : memref<!tpu.dma_semaphore, #tpu.memory_space<semaphore_mem>>)
      %dma_wait3A_40 = tpu.memref_slice %arg5[%mul3A_2] : memref<320000xi32, #tpu.memory_space<hbm>> -> memref<10000xi32, #tpu.memory_space<hbm>>
      %dma_wait3A_41 = tpu.memref_slice %arg5[%mul3A_2] : memref<320000xi32, #tpu.memory_space<hbm>> -> memref<10000xi32, #tpu.memory_space<hbm>>
      tpu.wait_dma2 semaphore(%run_scoped3A : memref<!tpu.dma_semaphore, #tpu.memory_space<semaphore_mem>>) src(%dma_wait3A_41 : memref<10000xi32, #tpu.memory_space<hbm>>) dst(%arg8 : memref<10000xi32, #tpu.memory_space<vmem>>)
      tpu.yield
    }) : () -> ()
    %dma_start3A = arith.constant 0 : i32
    %dma_start3A_3 = tpu.memref_slice %arg7[%dma_start3A] : memref<10000xi32, #tpu.memory_space<vmem>> -> memref<40xi32, #tpu.memory_space<vmem>>
    %dma_start3A_4 = arith.constant 0 : i32
    %dma_start3A_5 = arith.constant 0 : i32
    %dma_start3A_6 = tpu.memref_slice %arg2[%dma_start3A_4, %dma_start3A_5] : memref<10000x128xf32, #tpu.memory_space<hbm>> -> memref<10000x128xf32, #tpu.memory_space<hbm>>
    tpu.enqueue_indirect_dma source(%dma_start3A_6 : memref<10000x128xf32, #tpu.memory_space<hbm>>) target(%arg9 : memref<40x128xf32, #tpu.memory_space<vmem>>) offsets(%dma_start3A_3 : memref<40xi32, #tpu.memory_space<vmem>>) semaphore(%arg15 : memref<!tpu.dma_semaphore, #tpu.memory_space<semaphore_mem>>)
    %dma_start3A_7 = arith.constant 0 : i32
    %dma_start3A_8 = tpu.memref_slice %arg8[%dma_start3A_7] : memref<10000xi32, #tpu.memory_space<vmem>> -> memref<40xi32, #tpu.memory_space<vmem>>
    %dma_start3A_9 = arith.constant 0 : i32
    %dma_start3A_10 = arith.constant 0 : i32
    %dma_start3A_11 = tpu.memref_slice %arg3[%dma_start3A_9, %dma_start3A_10] : memref<10000x128xf32, #tpu.memory_space<hbm>> -> memref<10000x128xf32, #tpu.memory_space<hbm>>
    tpu.enqueue_indirect_dma source(%dma_start3A_11 : memref<10000x128xf32, #tpu.memory_space<hbm>>) target(%arg10 : memref<40x128xf32, #tpu.memory_space<vmem>>) offsets(%dma_start3A_8 : memref<40xi32, #tpu.memory_space<vmem>>) semaphore(%arg16 : memref<!tpu.dma_semaphore, #tpu.memory_space<semaphore_mem>>)
    %dma_start3A_12 = arith.constant 40 : i32
    %dma_start3A_13 = tpu.memref_slice %arg7[%dma_start3A_12] : memref<10000xi32, #tpu.memory_space<vmem>> -> memref<40xi32, #tpu.memory_space<vmem>>
    %dma_start3A_14 = arith.constant 0 : i32
    %dma_start3A_15 = arith.constant 0 : i32
    %dma_start3A_16 = tpu.memref_slice %arg2[%dma_start3A_14, %dma_start3A_15] : memref<10000x128xf32, #tpu.memory_space<hbm>> -> memref<10000x128xf32, #tpu.memory_space<hbm>>
    tpu.enqueue_indirect_dma source(%dma_start3A_16 : memref<10000x128xf32, #tpu.memory_space<hbm>>) target(%arg12 : memref<40x128xf32, #tpu.memory_space<vmem>>) offsets(%dma_start3A_13 : memref<40xi32, #tpu.memory_space<vmem>>) semaphore(%arg18 : memref<!tpu.dma_semaphore, #tpu.memory_space<semaphore_mem>>)
    %dma_start3A_17 = arith.constant 40 : i32
    %dma_start3A_18 = tpu.memref_slice %arg8[%dma_start3A_17] : memref<10000xi32, #tpu.memory_space<vmem>> -> memref<40xi32, #tpu.memory_space<vmem>>
    %dma_start3A_19 = arith.constant 0 : i32
    %dma_start3A_20 = arith.constant 0 : i32
    %dma_start3A_21 = tpu.memref_slice %arg3[%dma_start3A_19, %dma_start3A_20] : memref<10000x128xf32, #tpu.memory_space<hbm>> -> memref<10000x128xf32, #tpu.memory_space<hbm>>
    tpu.enqueue_indirect_dma source(%dma_start3A_21 : memref<10000x128xf32, #tpu.memory_space<hbm>>) target(%arg13 : memref<40x128xf32, #tpu.memory_space<vmem>>) offsets(%dma_start3A_18 : memref<40xi32, #tpu.memory_space<vmem>>) semaphore(%arg19 : memref<!tpu.dma_semaphore, #tpu.memory_space<semaphore_mem>>)
    %scan3A = arith.constant 0 : i32
    %scan3A_22 = arith.constant 0 : i32
    %scan3A_23 = arith.constant 125 : i32
    %scan3A_24 = arith.addi %scan3A_22, %scan3A_23 : i32
    %scan3A_25 = arith.constant 1 : i32
    scf.for %scan3A_38 = %scan3A_22 to %scan3A_24 step %scan3A_25  : i32 {
      %mul3A_39 = arith.constant 2 : i32
      %mul3A_40 = arith.muli %mul3A_39, %scan3A_38 : i32
      %add3A_41 = arith.constant 0 : i32
      %add3A_42 = arith.addi %mul3A_40, %add3A_41 : i32
      %mul3A_43 = arith.constant 40 : i32
      %mul3A_44 = arith.muli %add3A_42, %mul3A_43 : i32
      %dma_wait3A_45 = tpu.memref_slice %arg7[%mul3A_44] : memref<10000xi32, #tpu.memory_space<vmem>> -> memref<40xi32, #tpu.memory_space<vmem>>
      %dma_wait3A_46 = arith.constant 0 : i32
      %dma_wait3A_47 = arith.constant 0 : i32
      %dma_wait3A_48 = tpu.memref_slice %arg2[%dma_wait3A_46, %dma_wait3A_47] : memref<10000x128xf32, #tpu.memory_space<hbm>> -> memref<10000x128xf32, #tpu.memory_space<hbm>>
      tpu.wait_indirect_dma semaphore(%arg15 : memref<!tpu.dma_semaphore, #tpu.memory_space<semaphore_mem>>) src(%dma_wait3A_48 : memref<10000x128xf32, #tpu.memory_space<hbm>>) dst(%arg9 : memref<40x128xf32, #tpu.memory_space<vmem>>)
      %dma_wait3A_49 = tpu.memref_slice %arg8[%mul3A_44] : memref<10000xi32, #tpu.memory_space<vmem>> -> memref<40xi32, #tpu.memory_space<vmem>>
      %dma_wait3A_50 = arith.constant 0 : i32
      %dma_wait3A_51 = arith.constant 0 : i32
      %dma_wait3A_52 = tpu.memref_slice %arg3[%dma_wait3A_50, %dma_wait3A_51] : memref<10000x128xf32, #tpu.memory_space<hbm>> -> memref<10000x128xf32, #tpu.memory_space<hbm>>
      tpu.wait_indirect_dma semaphore(%arg16 : memref<!tpu.dma_semaphore, #tpu.memory_space<semaphore_mem>>) src(%dma_wait3A_52 : memref<10000x128xf32, #tpu.memory_space<hbm>>) dst(%arg10 : memref<40x128xf32, #tpu.memory_space<vmem>>)
      %gt3A = arith.constant 0 : i32
      %gt3A_53 = arith.cmpi sgt, %scan3A_38, %gt3A : i32
      %convert_element_type3A = arith.extui %gt3A_53 : i1 to i32
      %cond3A = arith.constant 0 : i32
      %cond3A_54 = arith.cmpi ne, %convert_element_type3A, %cond3A : i32
      scf.if %cond3A_54 {
        %sub3A = arith.constant 2 : i32
        %sub3A_106 = arith.subi %add3A_42, %sub3A : i32
        %mul3A_107 = arith.constant 40 : i32
        %mul3A_108 = arith.muli %sub3A_106, %mul3A_107 : i32
        %add3A_109 = arith.addi %mul3A_2, %mul3A_108 : i32
        %dma_wait3A_110 = arith.constant 0 : i32
        %dma_wait3A_111 = tpu.memref_slice %arg6[%add3A_109, %dma_wait3A_110] : memref<320000x64xi32, #tpu.memory_space<hbm>> -> memref<40x64xi32, #tpu.memory_space<hbm>>
        %dma_wait3A_112 = arith.constant 0 : i32
        %dma_wait3A_113 = tpu.memref_slice %arg6[%add3A_109, %dma_wait3A_112] : memref<320000x64xi32, #tpu.memory_space<hbm>> -> memref<40x64xi32, #tpu.memory_space<hbm>>
        tpu.wait_dma2 semaphore(%arg17 : memref<!tpu.dma_semaphore, #tpu.memory_space<semaphore_mem>>) src(%arg11 : memref<40x64xi32, #tpu.memory_space<vmem>>) dst(%dma_wait3A_113 : memref<40x64xi32, #tpu.memory_space<hbm>>)
      } else {
      }
      %parallel_loop3A = arith.constant 0 : i32
      %parallel_loop3A_55 = arith.constant 40 : i32
      %parallel_loop3A_56 = arith.constant 1 : i32
      scf.for %parallel_loop3A_106 = %parallel_loop3A to %parallel_loop3A_55 step %parallel_loop3A_56  : i32 {
        %parallel_loop3A_107 = arith.index_cast %parallel_loop3A_106 : i32 to index
        %parallel_loop3A_108 = arith.constant 0 : index
        %parallel_loop3A_109 = tpu.vector_load %arg9[%parallel_loop3A_107, %parallel_loop3A_108] {strides = array<i32>} : memref<40x128xf32, #tpu.memory_space<vmem>>, vector<1x16xf32>,
        %parallel_loop3A_110 = vector.shape_cast %parallel_loop3A_109 : vector<1x16xf32> to vector<16xf32>
        %parallel_loop3A_111 = arith.index_cast %parallel_loop3A_106 : i32 to index
        %parallel_loop3A_112 = arith.constant 0 : index
        %parallel_loop3A_113 = tpu.vector_load %arg10[%parallel_loop3A_111, %parallel_loop3A_112] {strides = array<i32>} : memref<40x128xf32, #tpu.memory_space<vmem>>, vector<1x16xf32>,
        %parallel_loop3A_114 = vector.shape_cast %parallel_loop3A_113 : vector<1x16xf32> to vector<16xf32>
        %parallel_loop3A_115 = arith.addf %parallel_loop3A_110, %parallel_loop3A_114 : vector<16xf32>
        %parallel_loop3A_116 = arith.index_cast %parallel_loop3A_106 : i32 to index
        %parallel_loop3A_117 = arith.constant 16 : index
        %parallel_loop3A_118 = tpu.vector_load %arg9[%parallel_loop3A_116, %parallel_loop3A_117] {strides = array<i32>} : memref<40x128xf32, #tpu.memory_space<vmem>>, vector<1x16xf32>,
        %parallel_loop3A_119 = vector.shape_cast %parallel_loop3A_118 : vector<1x16xf32> to vector<16xf32>
        %parallel_loop3A_120 = arith.index_cast %parallel_loop3A_106 : i32 to index
        %parallel_loop3A_121 = arith.constant 16 : index
        %parallel_loop3A_122 = tpu.vector_load %arg10[%parallel_loop3A_120, %parallel_loop3A_121] {strides = array<i32>} : memref<40x128xf32, #tpu.memory_space<vmem>>, vector<1x16xf32>,
        %parallel_loop3A_123 = vector.shape_cast %parallel_loop3A_122 : vector<1x16xf32> to vector<16xf32>
        %parallel_loop3A_124 = arith.addf %parallel_loop3A_119, %parallel_loop3A_123 : vector<16xf32>
        %parallel_loop3A_125 = arith.index_cast %parallel_loop3A_106 : i32 to index
        %parallel_loop3A_126 = arith.constant 32 : index
        %parallel_loop3A_127 = tpu.vector_load %arg9[%parallel_loop3A_125, %parallel_loop3A_126] {strides = array<i32>} : memref<40x128xf32, #tpu.memory_space<vmem>>, vector<1x16xf32>,
        %parallel_loop3A_128 = vector.shape_cast %parallel_loop3A_127 : vector<1x16xf32> to vector<16xf32>
        %parallel_loop3A_129 = arith.index_cast %parallel_loop3A_106 : i32 to index
        %parallel_loop3A_130 = arith.constant 32 : index
        %parallel_loop3A_131 = tpu.vector_load %arg10[%parallel_loop3A_129, %parallel_loop3A_130] {strides = array<i32>} : memref<40x128xf32, #tpu.memory_space<vmem>>, vector<1x16xf32>,
        %parallel_loop3A_132 = vector.shape_cast %parallel_loop3A_131 : vector<1x16xf32> to vector<16xf32>
        %parallel_loop3A_133 = arith.addf %parallel_loop3A_128, %parallel_loop3A_132 : vector<16xf32>
        %parallel_loop3A_134 = arith.index_cast %parallel_loop3A_106 : i32 to index
        %parallel_loop3A_135 = arith.constant 48 : index
        %parallel_loop3A_136 = tpu.vector_load %arg9[%parallel_loop3A_134, %parallel_loop3A_135] {strides = array<i32>} : memref<40x128xf32, #tpu.memory_space<vmem>>, vector<1x16xf32>,
        %parallel_loop3A_137 = vector.shape_cast %parallel_loop3A_136 : vector<1x16xf32> to vector<16xf32>
        %parallel_loop3A_138 = arith.index_cast %parallel_loop3A_106 : i32 to index
        %parallel_loop3A_139 = arith.constant 48 : index
        %parallel_loop3A_140 = tpu.vector_load %arg10[%parallel_loop3A_138, %parallel_loop3A_139] {strides = array<i32>} : memref<40x128xf32, #tpu.memory_space<vmem>>, vector<1x16xf32>,
        %parallel_loop3A_141 = vector.shape_cast %parallel_loop3A_140 : vector<1x16xf32> to vector<16xf32>
        %parallel_loop3A_142 = arith.addf %parallel_loop3A_137, %parallel_loop3A_141 : vector<16xf32>
        %parallel_loop3A_143 = arith.index_cast %parallel_loop3A_106 : i32 to index
        %parallel_loop3A_144 = arith.constant 64 : index
        %parallel_loop3A_145 = tpu.vector_load %arg9[%parallel_loop3A_143, %parallel_loop3A_144] {strides = array<i32>} : memref<40x128xf32, #tpu.memory_space<vmem>>, vector<1x16xf32>,
        %parallel_loop3A_146 = vector.shape_cast %parallel_loop3A_145 : vector<1x16xf32> to vector<16xf32>
        %parallel_loop3A_147 = arith.index_cast %parallel_loop3A_106 : i32 to index
        %parallel_loop3A_148 = arith.constant 64 : index
        %parallel_loop3A_149 = tpu.vector_load %arg10[%parallel_loop3A_147, %parallel_loop3A_148] {strides = array<i32>} : memref<40x128xf32, #tpu.memory_space<vmem>>, vector<1x16xf32>,
        %parallel_loop3A_150 = vector.shape_cast %parallel_loop3A_149 : vector<1x16xf32> to vector<16xf32>
        %parallel_loop3A_151 = arith.addf %parallel_loop3A_146, %parallel_loop3A_150 : vector<16xf32>
        %parallel_loop3A_152 = arith.index_cast %parallel_loop3A_106 : i32 to index
        %parallel_loop3A_153 = arith.constant 80 : index
        %parallel_loop3A_154 = tpu.vector_load %arg9[%parallel_loop3A_152, %parallel_loop3A_153] {strides = array<i32>} : memref<40x128xf32, #tpu.memory_space<vmem>>, vector<1x16xf32>,
        %parallel_loop3A_155 = vector.shape_cast %parallel_loop3A_154 : vector<1x16xf32> to vector<16xf32>
        %parallel_loop3A_156 = arith.index_cast %parallel_loop3A_106 : i32 to index
        %parallel_loop3A_157 = arith.constant 80 : index
        %parallel_loop3A_158 = tpu.vector_load %arg10[%parallel_loop3A_156, %parallel_loop3A_157] {strides = array<i32>} : memref<40x128xf32, #tpu.memory_space<vmem>>, vector<1x16xf32>,
        %parallel_loop3A_159 = vector.shape_cast %parallel_loop3A_158 : vector<1x16xf32> to vector<16xf32>
        %parallel_loop3A_160 = arith.addf %parallel_loop3A_155, %parallel_loop3A_159 : vector<16xf32>
        %parallel_loop3A_161 = arith.index_cast %parallel_loop3A_106 : i32 to index
        %parallel_loop3A_162 = arith.constant 96 : index
        %parallel_loop3A_163 = tpu.vector_load %arg9[%parallel_loop3A_161, %parallel_loop3A_162] {strides = array<i32>} : memref<40x128xf32, #tpu.memory_space<vmem>>, vector<1x16xf32>,
        %parallel_loop3A_164 = vector.shape_cast %parallel_loop3A_163 : vector<1x16xf32> to vector<16xf32>
        %parallel_loop3A_165 = arith.index_cast %parallel_loop3A_106 : i32 to index
        %parallel_loop3A_166 = arith.constant 96 : index
        %parallel_loop3A_167 = tpu.vector_load %arg10[%parallel_loop3A_165, %parallel_loop3A_166] {strides = array<i32>} : memref<40x128xf32, #tpu.memory_space<vmem>>, vector<1x16xf32>,
        %parallel_loop3A_168 = vector.shape_cast %parallel_loop3A_167 : vector<1x16xf32> to vector<16xf32>
        %parallel_loop3A_169 = arith.addf %parallel_loop3A_164, %parallel_loop3A_168 : vector<16xf32>
        %parallel_loop3A_170 = arith.index_cast %parallel_loop3A_106 : i32 to index
        %parallel_loop3A_171 = arith.constant 112 : index
        %parallel_loop3A_172 = tpu.vector_load %arg9[%parallel_loop3A_170, %parallel_loop3A_171] {strides = array<i32>} : memref<40x128xf32, #tpu.memory_space<vmem>>, vector<1x16xf32>,
        %parallel_loop3A_173 = vector.shape_cast %parallel_loop3A_172 : vector<1x16xf32> to vector<16xf32>
        %parallel_loop3A_174 = arith.index_cast %parallel_loop3A_106 : i32 to index
        %parallel_loop3A_175 = arith.constant 112 : index
        %parallel_loop3A_176 = tpu.vector_load %arg10[%parallel_loop3A_174, %parallel_loop3A_175] {strides = array<i32>} : memref<40x128xf32, #tpu.memory_space<vmem>>, vector<1x16xf32>,
        %parallel_loop3A_177 = vector.shape_cast %parallel_loop3A_176 : vector<1x16xf32> to vector<16xf32>
        %parallel_loop3A_178 = arith.addf %parallel_loop3A_173, %parallel_loop3A_177 : vector<16xf32>
        %parallel_loop3A_179 = tpu.bitcast %parallel_loop3A_115 : vector<16xf32> -> vector<16xi32>
        %parallel_loop3A_180 = arith.constant 16 : i32
        %parallel_loop3A_181 = vector.broadcast %parallel_loop3A_180 : i32 to vector<16xi32>
        %parallel_loop3A_182 = arith.shrui %parallel_loop3A_179, %parallel_loop3A_181 : vector<16xi32>
        %parallel_loop3A_183 = tpu.bitcast %parallel_loop3A_151 : vector<16xf32> -> vector<16xi32>
        %parallel_loop3A_184 = arith.constant -65536 : i32
        %parallel_loop3A_185 = vector.broadcast %parallel_loop3A_184 : i32 to vector<16xi32>
        %parallel_loop3A_186 = arith.andi %parallel_loop3A_183, %parallel_loop3A_185 : vector<16xi32>
        %parallel_loop3A_187 = arith.ori %parallel_loop3A_182, %parallel_loop3A_186 : vector<16xi32>
        %parallel_loop3A_188 = arith.index_cast %parallel_loop3A_106 : i32 to index
        %parallel_loop3A_189 = arith.constant 0 : index
        %parallel_loop3A_190 = tpu.vector_load %arg11[%parallel_loop3A_188, %parallel_loop3A_189] {strides = array<i32>} : memref<40x64xi32, #tpu.memory_space<vmem>>, vector<1x16xi32>,
        %parallel_loop3A_191 = vector.shape_cast %parallel_loop3A_190 : vector<1x16xi32> to vector<16xi32>
        %parallel_loop3A_192 = vector.shape_cast %parallel_loop3A_187 : vector<16xi32> to vector<1x16xi32>
        tpu.vector_store %arg11[%parallel_loop3A_188, %parallel_loop3A_189], %parallel_loop3A_192 {strides = array<i32>} : memref<40x64xi32, #tpu.memory_space<vmem>>, vector<1x16xi32>,
        %parallel_loop3A_193 = tpu.bitcast %parallel_loop3A_124 : vector<16xf32> -> vector<16xi32>
        %parallel_loop3A_194 = arith.constant 16 : i32
        %parallel_loop3A_195 = vector.broadcast %parallel_loop3A_194 : i32 to vector<16xi32>
        %parallel_loop3A_196 = arith.shrui %parallel_loop3A_193, %parallel_loop3A_195 : vector<16xi32>
        %parallel_loop3A_197 = tpu.bitcast %parallel_loop3A_160 : vector<16xf32> -> vector<16xi32>
        %parallel_loop3A_198 = arith.constant -65536 : i32
        %parallel_loop3A_199 = vector.broadcast %parallel_loop3A_198 : i32 to vector<16xi32>
        %parallel_loop3A_200 = arith.andi %parallel_loop3A_197, %parallel_loop3A_199 : vector<16xi32>
        %parallel_loop3A_201 = arith.ori %parallel_loop3A_196, %parallel_loop3A_200 : vector<16xi32>
        %parallel_loop3A_202 = arith.index_cast %parallel_loop3A_106 : i32 to index
        %parallel_loop3A_203 = arith.constant 16 : index
        %parallel_loop3A_204 = tpu.vector_load %arg11[%parallel_loop3A_202, %parallel_loop3A_203] {strides = array<i32>} : memref<40x64xi32, #tpu.memory_space<vmem>>, vector<1x16xi32>,
        %parallel_loop3A_205 = vector.shape_cast %parallel_loop3A_204 : vector<1x16xi32> to vector<16xi32>
        %parallel_loop3A_206 = vector.shape_cast %parallel_loop3A_201 : vector<16xi32> to vector<1x16xi32>
        tpu.vector_store %arg11[%parallel_loop3A_202, %parallel_loop3A_203], %parallel_loop3A_206 {strides = array<i32>} : memref<40x64xi32, #tpu.memory_space<vmem>>, vector<1x16xi32>,
        %parallel_loop3A_207 = tpu.bitcast %parallel_loop3A_133 : vector<16xf32> -> vector<16xi32>
        %parallel_loop3A_208 = arith.constant 16 : i32
        %parallel_loop3A_209 = vector.broadcast %parallel_loop3A_208 : i32 to vector<16xi32>
        %parallel_loop3A_210 = arith.shrui %parallel_loop3A_207, %parallel_loop3A_209 : vector<16xi32>
        %parallel_loop3A_211 = tpu.bitcast %parallel_loop3A_169 : vector<16xf32> -> vector<16xi32>
        %parallel_loop3A_212 = arith.constant -65536 : i32
        %parallel_loop3A_213 = vector.broadcast %parallel_loop3A_212 : i32 to vector<16xi32>
        %parallel_loop3A_214 = arith.andi %parallel_loop3A_211, %parallel_loop3A_213 : vector<16xi32>
        %parallel_loop3A_215 = arith.ori %parallel_loop3A_210, %parallel_loop3A_214 : vector<16xi32>
        %parallel_loop3A_216 = arith.index_cast %parallel_loop3A_106 : i32 to index
        %parallel_loop3A_217 = arith.constant 32 : index
        %parallel_loop3A_218 = tpu.vector_load %arg11[%parallel_loop3A_216, %parallel_loop3A_217] {strides = array<i32>} : memref<40x64xi32, #tpu.memory_space<vmem>>, vector<1x16xi32>,
        %parallel_loop3A_219 = vector.shape_cast %parallel_loop3A_218 : vector<1x16xi32> to vector<16xi32>
        %parallel_loop3A_220 = vector.shape_cast %parallel_loop3A_215 : vector<16xi32> to vector<1x16xi32>
        tpu.vector_store %arg11[%parallel_loop3A_216, %parallel_loop3A_217], %parallel_loop3A_220 {strides = array<i32>} : memref<40x64xi32, #tpu.memory_space<vmem>>, vector<1x16xi32>,
        %parallel_loop3A_221 = tpu.bitcast %parallel_loop3A_142 : vector<16xf32> -> vector<16xi32>
        %parallel_loop3A_222 = arith.constant 16 : i32
        %parallel_loop3A_223 = vector.broadcast %parallel_loop3A_222 : i32 to vector<16xi32>
        %parallel_loop3A_224 = arith.shrui %parallel_loop3A_221, %parallel_loop3A_223 : vector<16xi32>
        %parallel_loop3A_225 = tpu.bitcast %parallel_loop3A_178 : vector<16xf32> -> vector<16xi32>
        %parallel_loop3A_226 = arith.constant -65536 : i32
        %parallel_loop3A_227 = vector.broadcast %parallel_loop3A_226 : i32 to vector<16xi32>
        %parallel_loop3A_228 = arith.andi %parallel_loop3A_225, %parallel_loop3A_227 : vector<16xi32>
        %parallel_loop3A_229 = arith.ori %parallel_loop3A_224, %parallel_loop3A_228 : vector<16xi32>
        %parallel_loop3A_230 = arith.index_cast %parallel_loop3A_106 : i32 to index
        %parallel_loop3A_231 = arith.constant 48 : index
        %parallel_loop3A_232 = tpu.vector_load %arg11[%parallel_loop3A_230, %parallel_loop3A_231] {strides = array<i32>} : memref<40x64xi32, #tpu.memory_space<vmem>>, vector<1x16xi32>,
        %parallel_loop3A_233 = vector.shape_cast %parallel_loop3A_232 : vector<1x16xi32> to vector<16xi32>
        %parallel_loop3A_234 = vector.shape_cast %parallel_loop3A_229 : vector<16xi32> to vector<1x16xi32>
        tpu.vector_store %arg11[%parallel_loop3A_230, %parallel_loop3A_231], %parallel_loop3A_234 {strides = array<i32>} : memref<40x64xi32, #tpu.memory_space<vmem>>, vector<1x16xi32>,
      } {sc.loop_unroll_factor = 4 : i64, sc.parallel_access}
      %mul3A_57 = arith.constant 40 : i32
      %mul3A_58 = arith.muli %add3A_42, %mul3A_57 : i32
      %add3A_59 = arith.addi %mul3A_2, %mul3A_58 : i32
      %dma_start3A_60 = arith.constant 0 : i32
      %dma_start3A_61 = tpu.memref_slice %arg6[%add3A_59, %dma_start3A_60] : memref<320000x64xi32, #tpu.memory_space<hbm>> -> memref<40x64xi32, #tpu.memory_space<hbm>>
      %dma_start3A_62 = arith.constant 0 : i32
      %dma_start3A_63 = tpu.memref_slice %arg6[%add3A_59, %dma_start3A_62] : memref<320000x64xi32, #tpu.memory_space<hbm>> -> memref<40x64xi32, #tpu.memory_space<hbm>>
      tpu.enqueue_dma source(%arg11 : memref<40x64xi32, #tpu.memory_space<vmem>>) target(%dma_start3A_63 : memref<40x64xi32, #tpu.memory_space<hbm>>) target_semaphore(%arg17 : memref<!tpu.dma_semaphore, #tpu.memory_space<semaphore_mem>>)
      %add3A_64 = arith.constant 2 : i32
      %add3A_65 = arith.addi %add3A_42, %add3A_64 : i32
      %lt3A = arith.constant 250 : i32
      %lt3A_66 = arith.cmpi slt, %add3A_65, %lt3A : i32
      %convert_element_type3A_67 = arith.extui %lt3A_66 : i1 to i32
      %cond3A_68 = arith.constant 0 : i32
      %cond3A_69 = arith.cmpi ne, %convert_element_type3A_67, %cond3A_68 : i32
      scf.if %cond3A_69 {
        %add3A_106 = arith.constant 2 : i32
        %add3A_107 = arith.addi %add3A_42, %add3A_106 : i32
        %mul3A_108 = arith.constant 40 : i32
        %mul3A_109 = arith.muli %add3A_107, %mul3A_108 : i32
        %dma_start3A_110 = tpu.memref_slice %arg7[%mul3A_109] : memref<10000xi32, #tpu.memory_space<vmem>> -> memref<40xi32, #tpu.memory_space<vmem>>
        %dma_start3A_111 = arith.constant 0 : i32
        %dma_start3A_112 = arith.constant 0 : i32
        %dma_start3A_113 = tpu.memref_slice %arg2[%dma_start3A_111, %dma_start3A_112] : memref<10000x128xf32, #tpu.memory_space<hbm>> -> memref<10000x128xf32, #tpu.memory_space<hbm>>
        tpu.enqueue_indirect_dma source(%dma_start3A_113 : memref<10000x128xf32, #tpu.memory_space<hbm>>) target(%arg9 : memref<40x128xf32, #tpu.memory_space<vmem>>) offsets(%dma_start3A_110 : memref<40xi32, #tpu.memory_space<vmem>>) semaphore(%arg15 : memref<!tpu.dma_semaphore, #tpu.memory_space<semaphore_mem>>)
        %dma_start3A_114 = tpu.memref_slice %arg8[%mul3A_109] : memref<10000xi32, #tpu.memory_space<vmem>> -> memref<40xi32, #tpu.memory_space<vmem>>
        %dma_start3A_115 = arith.constant 0 : i32
        %dma_start3A_116 = arith.constant 0 : i32
        %dma_start3A_117 = tpu.memref_slice %arg3[%dma_start3A_115, %dma_start3A_116] : memref<10000x128xf32, #tpu.memory_space<hbm>> -> memref<10000x128xf32, #tpu.memory_space<hbm>>
        tpu.enqueue_indirect_dma source(%dma_start3A_117 : memref<10000x128xf32, #tpu.memory_space<hbm>>) target(%arg10 : memref<40x128xf32, #tpu.memory_space<vmem>>) offsets(%dma_start3A_114 : memref<40xi32, #tpu.memory_space<vmem>>) semaphore(%arg16 : memref<!tpu.dma_semaphore, #tpu.memory_space<semaphore_mem>>)
      } else {
      }
      %mul3A_70 = arith.constant 2 : i32
      %mul3A_71 = arith.muli %mul3A_70, %scan3A_38 : i32
      %add3A_72 = arith.constant 1 : i32
      %add3A_73 = arith.addi %mul3A_71, %add3A_72 : i32
      %mul3A_74 = arith.constant 40 : i32
      %mul3A_75 = arith.muli %add3A_73, %mul3A_74 : i32
      %dma_wait3A_76 = tpu.memref_slice %arg7[%mul3A_75] : memref<10000xi32, #tpu.memory_space<vmem>> -> memref<40xi32, #tpu.memory_space<vmem>>
      %dma_wait3A_77 = arith.constant 0 : i32
      %dma_wait3A_78 = arith.constant 0 : i32
      %dma_wait3A_79 = tpu.memref_slice %arg2[%dma_wait3A_77, %dma_wait3A_78] : memref<10000x128xf32, #tpu.memory_space<hbm>> -> memref<10000x128xf32, #tpu.memory_space<hbm>>
      tpu.wait_indirect_dma semaphore(%arg18 : memref<!tpu.dma_semaphore, #tpu.memory_space<semaphore_mem>>) src(%dma_wait3A_79 : memref<10000x128xf32, #tpu.memory_space<hbm>>) dst(%arg12 : memref<40x128xf32, #tpu.memory_space<vmem>>)
      %dma_wait3A_80 = tpu.memref_slice %arg8[%mul3A_75] : memref<10000xi32, #tpu.memory_space<vmem>> -> memref<40xi32, #tpu.memory_space<vmem>>
      %dma_wait3A_81 = arith.constant 0 : i32
      %dma_wait3A_82 = arith.constant 0 : i32
      %dma_wait3A_83 = tpu.memref_slice %arg3[%dma_wait3A_81, %dma_wait3A_82] : memref<10000x128xf32, #tpu.memory_space<hbm>> -> memref<10000x128xf32, #tpu.memory_space<hbm>>
      tpu.wait_indirect_dma semaphore(%arg19 : memref<!tpu.dma_semaphore, #tpu.memory_space<semaphore_mem>>) src(%dma_wait3A_83 : memref<10000x128xf32, #tpu.memory_space<hbm>>) dst(%arg13 : memref<40x128xf32, #tpu.memory_space<vmem>>)
      %gt3A_84 = arith.constant 0 : i32
      %gt3A_85 = arith.cmpi sgt, %scan3A_38, %gt3A_84 : i32
      %convert_element_type3A_86 = arith.extui %gt3A_85 : i1 to i32
      %cond3A_87 = arith.constant 0 : i32
      %cond3A_88 = arith.cmpi ne, %convert_element_type3A_86, %cond3A_87 : i32
      scf.if %cond3A_88 {
        %sub3A = arith.constant 2 : i32
        %sub3A_106 = arith.subi %add3A_73, %sub3A : i32
        %mul3A_107 = arith.constant 40 : i32
        %mul3A_108 = arith.muli %sub3A_106, %mul3A_107 : i32
        %add3A_109 = arith.addi %mul3A_2, %mul3A_108 : i32
        %dma_wait3A_110 = arith.constant 0 : i32
        %dma_wait3A_111 = tpu.memref_slice %arg6[%add3A_109, %dma_wait3A_110] : memref<320000x64xi32, #tpu.memory_space<hbm>> -> memref<40x64xi32, #tpu.memory_space<hbm>>
        %dma_wait3A_112 = arith.constant 0 : i32
        %dma_wait3A_113 = tpu.memref_slice %arg6[%add3A_109, %dma_wait3A_112] : memref<320000x64xi32, #tpu.memory_space<hbm>> -> memref<40x64xi32, #tpu.memory_space<hbm>>
        tpu.wait_dma2 semaphore(%arg20 : memref<!tpu.dma_semaphore, #tpu.memory_space<semaphore_mem>>) src(%arg14 : memref<40x64xi32, #tpu.memory_space<vmem>>) dst(%dma_wait3A_113 : memref<40x64xi32, #tpu.memory_space<hbm>>)
      } else {
      }
      %parallel_loop3A_89 = arith.constant 0 : i32
      %parallel_loop3A_90 = arith.constant 40 : i32
      %parallel_loop3A_91 = arith.constant 1 : i32
      scf.for %parallel_loop3A_106 = %parallel_loop3A_89 to %parallel_loop3A_90 step %parallel_loop3A_91  : i32 {
        %parallel_loop3A_107 = arith.index_cast %parallel_loop3A_106 : i32 to index
        %parallel_loop3A_108 = arith.constant 0 : index
        %parallel_loop3A_109 = tpu.vector_load %arg12[%parallel_loop3A_107, %parallel_loop3A_108] {strides = array<i32>} : memref<40x128xf32, #tpu.memory_space<vmem>>, vector<1x16xf32>,
        %parallel_loop3A_110 = vector.shape_cast %parallel_loop3A_109 : vector<1x16xf32> to vector<16xf32>
        %parallel_loop3A_111 = arith.index_cast %parallel_loop3A_106 : i32 to index
        %parallel_loop3A_112 = arith.constant 0 : index
        %parallel_loop3A_113 = tpu.vector_load %arg13[%parallel_loop3A_111, %parallel_loop3A_112] {strides = array<i32>} : memref<40x128xf32, #tpu.memory_space<vmem>>, vector<1x16xf32>,
        %parallel_loop3A_114 = vector.shape_cast %parallel_loop3A_113 : vector<1x16xf32> to vector<16xf32>
        %parallel_loop3A_115 = arith.addf %parallel_loop3A_110, %parallel_loop3A_114 : vector<16xf32>
        %parallel_loop3A_116 = arith.index_cast %parallel_loop3A_106 : i32 to index
        %parallel_loop3A_117 = arith.constant 16 : index
        %parallel_loop3A_118 = tpu.vector_load %arg12[%parallel_loop3A_116, %parallel_loop3A_117] {strides = array<i32>} : memref<40x128xf32, #tpu.memory_space<vmem>>, vector<1x16xf32>,
        %parallel_loop3A_119 = vector.shape_cast %parallel_loop3A_118 : vector<1x16xf32> to vector<16xf32>
        %parallel_loop3A_120 = arith.index_cast %parallel_loop3A_106 : i32 to index
        %parallel_loop3A_121 = arith.constant 16 : index
        %parallel_loop3A_122 = tpu.vector_load %arg13[%parallel_loop3A_120, %parallel_loop3A_121] {strides = array<i32>} : memref<40x128xf32, #tpu.memory_space<vmem>>, vector<1x16xf32>,
        %parallel_loop3A_123 = vector.shape_cast %parallel_loop3A_122 : vector<1x16xf32> to vector<16xf32>
        %parallel_loop3A_124 = arith.addf %parallel_loop3A_119, %parallel_loop3A_123 : vector<16xf32>
        %parallel_loop3A_125 = arith.index_cast %parallel_loop3A_106 : i32 to index
        %parallel_loop3A_126 = arith.constant 32 : index
        %parallel_loop3A_127 = tpu.vector_load %arg12[%parallel_loop3A_125, %parallel_loop3A_126] {strides = array<i32>} : memref<40x128xf32, #tpu.memory_space<vmem>>, vector<1x16xf32>,
        %parallel_loop3A_128 = vector.shape_cast %parallel_loop3A_127 : vector<1x16xf32> to vector<16xf32>
        %parallel_loop3A_129 = arith.index_cast %parallel_loop3A_106 : i32 to index
        %parallel_loop3A_130 = arith.constant 32 : index
        %parallel_loop3A_131 = tpu.vector_load %arg13[%parallel_loop3A_129, %parallel_loop3A_130] {strides = array<i32>} : memref<40x128xf32, #tpu.memory_space<vmem>>, vector<1x16xf32>,
        %parallel_loop3A_132 = vector.shape_cast %parallel_loop3A_131 : vector<1x16xf32> to vector<16xf32>
        %parallel_loop3A_133 = arith.addf %parallel_loop3A_128, %parallel_loop3A_132 : vector<16xf32>
        %parallel_loop3A_134 = arith.index_cast %parallel_loop3A_106 : i32 to index
        %parallel_loop3A_135 = arith.constant 48 : index
        %parallel_loop3A_136 = tpu.vector_load %arg12[%parallel_loop3A_134, %parallel_loop3A_135] {strides = array<i32>} : memref<40x128xf32, #tpu.memory_space<vmem>>, vector<1x16xf32>,
        %parallel_loop3A_137 = vector.shape_cast %parallel_loop3A_136 : vector<1x16xf32> to vector<16xf32>
        %parallel_loop3A_138 = arith.index_cast %parallel_loop3A_106 : i32 to index
        %parallel_loop3A_139 = arith.constant 48 : index
        %parallel_loop3A_140 = tpu.vector_load %arg13[%parallel_loop3A_138, %parallel_loop3A_139] {strides = array<i32>} : memref<40x128xf32, #tpu.memory_space<vmem>>, vector<1x16xf32>,
        %parallel_loop3A_141 = vector.shape_cast %parallel_loop3A_140 : vector<1x16xf32> to vector<16xf32>
        %parallel_loop3A_142 = arith.addf %parallel_loop3A_137, %parallel_loop3A_141 : vector<16xf32>
        %parallel_loop3A_143 = arith.index_cast %parallel_loop3A_106 : i32 to index
        %parallel_loop3A_144 = arith.constant 64 : index
        %parallel_loop3A_145 = tpu.vector_load %arg12[%parallel_loop3A_143, %parallel_loop3A_144] {strides = array<i32>} : memref<40x128xf32, #tpu.memory_space<vmem>>, vector<1x16xf32>,
        %parallel_loop3A_146 = vector.shape_cast %parallel_loop3A_145 : vector<1x16xf32> to vector<16xf32>
        %parallel_loop3A_147 = arith.index_cast %parallel_loop3A_106 : i32 to index
        %parallel_loop3A_148 = arith.constant 64 : index
        %parallel_loop3A_149 = tpu.vector_load %arg13[%parallel_loop3A_147, %parallel_loop3A_148] {strides = array<i32>} : memref<40x128xf32, #tpu.memory_space<vmem>>, vector<1x16xf32>,
        %parallel_loop3A_150 = vector.shape_cast %parallel_loop3A_149 : vector<1x16xf32> to vector<16xf32>
        %parallel_loop3A_151 = arith.addf %parallel_loop3A_146, %parallel_loop3A_150 : vector<16xf32>
        %parallel_loop3A_152 = arith.index_cast %parallel_loop3A_106 : i32 to index
        %parallel_loop3A_153 = arith.constant 80 : index
        %parallel_loop3A_154 = tpu.vector_load %arg12[%parallel_loop3A_152, %parallel_loop3A_153] {strides = array<i32>} : memref<40x128xf32, #tpu.memory_space<vmem>>, vector<1x16xf32>,
        %parallel_loop3A_155 = vector.shape_cast %parallel_loop3A_154 : vector<1x16xf32> to vector<16xf32>
        %parallel_loop3A_156 = arith.index_cast %parallel_loop3A_106 : i32 to index
        %parallel_loop3A_157 = arith.constant 80 : index
        %parallel_loop3A_158 = tpu.vector_load %arg13[%parallel_loop3A_156, %parallel_loop3A_157] {strides = array<i32>} : memref<40x128xf32, #tpu.memory_space<vmem>>, vector<1x16xf32>,
        %parallel_loop3A_159 = vector.shape_cast %parallel_loop3A_158 : vector<1x16xf32> to vector<16xf32>
        %parallel_loop3A_160 = arith.addf %parallel_loop3A_155, %parallel_loop3A_159 : vector<16xf32>
        %parallel_loop3A_161 = arith.index_cast %parallel_loop3A_106 : i32 to index
        %parallel_loop3A_162 = arith.constant 96 : index
        %parallel_loop3A_163 = tpu.vector_load %arg12[%parallel_loop3A_161, %parallel_loop3A_162] {strides = array<i32>} : memref<40x128xf32, #tpu.memory_space<vmem>>, vector<1x16xf32>,
        %parallel_loop3A_164 = vector.shape_cast %parallel_loop3A_163 : vector<1x16xf32> to vector<16xf32>
        %parallel_loop3A_165 = arith.index_cast %parallel_loop3A_106 : i32 to index
        %parallel_loop3A_166 = arith.constant 96 : index
        %parallel_loop3A_167 = tpu.vector_load %arg13[%parallel_loop3A_165, %parallel_loop3A_166] {strides = array<i32>} : memref<40x128xf32, #tpu.memory_space<vmem>>, vector<1x16xf32>,
        %parallel_loop3A_168 = vector.shape_cast %parallel_loop3A_167 : vector<1x16xf32> to vector<16xf32>
        %parallel_loop3A_169 = arith.addf %parallel_loop3A_164, %parallel_loop3A_168 : vector<16xf32>
        %parallel_loop3A_170 = arith.index_cast %parallel_loop3A_106 : i32 to index
        %parallel_loop3A_171 = arith.constant 112 : index
        %parallel_loop3A_172 = tpu.vector_load %arg12[%parallel_loop3A_170, %parallel_loop3A_171] {strides = array<i32>} : memref<40x128xf32, #tpu.memory_space<vmem>>, vector<1x16xf32>,
        %parallel_loop3A_173 = vector.shape_cast %parallel_loop3A_172 : vector<1x16xf32> to vector<16xf32>
        %parallel_loop3A_174 = arith.index_cast %parallel_loop3A_106 : i32 to index
        %parallel_loop3A_175 = arith.constant 112 : index
        %parallel_loop3A_176 = tpu.vector_load %arg13[%parallel_loop3A_174, %parallel_loop3A_175] {strides = array<i32>} : memref<40x128xf32, #tpu.memory_space<vmem>>, vector<1x16xf32>,
        %parallel_loop3A_177 = vector.shape_cast %parallel_loop3A_176 : vector<1x16xf32> to vector<16xf32>
        %parallel_loop3A_178 = arith.addf %parallel_loop3A_173, %parallel_loop3A_177 : vector<16xf32>
        %parallel_loop3A_179 = tpu.bitcast %parallel_loop3A_115 : vector<16xf32> -> vector<16xi32>
        %parallel_loop3A_180 = arith.constant 16 : i32
        %parallel_loop3A_181 = vector.broadcast %parallel_loop3A_180 : i32 to vector<16xi32>
        %parallel_loop3A_182 = arith.shrui %parallel_loop3A_179, %parallel_loop3A_181 : vector<16xi32>
        %parallel_loop3A_183 = tpu.bitcast %parallel_loop3A_151 : vector<16xf32> -> vector<16xi32>
        %parallel_loop3A_184 = arith.constant -65536 : i32
        %parallel_loop3A_185 = vector.broadcast %parallel_loop3A_184 : i32 to vector<16xi32>
        %parallel_loop3A_186 = arith.andi %parallel_loop3A_183, %parallel_loop3A_185 : vector<16xi32>
        %parallel_loop3A_187 = arith.ori %parallel_loop3A_182, %parallel_loop3A_186 : vector<16xi32>
        %parallel_loop3A_188 = arith.index_cast %parallel_loop3A_106 : i32 to index
        %parallel_loop3A_189 = arith.constant 0 : index
        %parallel_loop3A_190 = tpu.vector_load %arg14[%parallel_loop3A_188, %parallel_loop3A_189] {strides = array<i32>} : memref<40x64xi32, #tpu.memory_space<vmem>>, vector<1x16xi32>,
        %parallel_loop3A_191 = vector.shape_cast %parallel_loop3A_190 : vector<1x16xi32> to vector<16xi32>
        %parallel_loop3A_192 = vector.shape_cast %parallel_loop3A_187 : vector<16xi32> to vector<1x16xi32>
        tpu.vector_store %arg14[%parallel_loop3A_188, %parallel_loop3A_189], %parallel_loop3A_192 {strides = array<i32>} : memref<40x64xi32, #tpu.memory_space<vmem>>, vector<1x16xi32>,
        %parallel_loop3A_193 = tpu.bitcast %parallel_loop3A_124 : vector<16xf32> -> vector<16xi32>
        %parallel_loop3A_194 = arith.constant 16 : i32
        %parallel_loop3A_195 = vector.broadcast %parallel_loop3A_194 : i32 to vector<16xi32>
        %parallel_loop3A_196 = arith.shrui %parallel_loop3A_193, %parallel_loop3A_195 : vector<16xi32>
        %parallel_loop3A_197 = tpu.bitcast %parallel_loop3A_160 : vector<16xf32> -> vector<16xi32>
        %parallel_loop3A_198 = arith.constant -65536 : i32
        %parallel_loop3A_199 = vector.broadcast %parallel_loop3A_198 : i32 to vector<16xi32>
        %parallel_loop3A_200 = arith.andi %parallel_loop3A_197, %parallel_loop3A_199 : vector<16xi32>
        %parallel_loop3A_201 = arith.ori %parallel_loop3A_196, %parallel_loop3A_200 : vector<16xi32>
        %parallel_loop3A_202 = arith.index_cast %parallel_loop3A_106 : i32 to index
        %parallel_loop3A_203 = arith.constant 16 : index
        %parallel_loop3A_204 = tpu.vector_load %arg14[%parallel_loop3A_202, %parallel_loop3A_203] {strides = array<i32>} : memref<40x64xi32, #tpu.memory_space<vmem>>, vector<1x16xi32>,
        %parallel_loop3A_205 = vector.shape_cast %parallel_loop3A_204 : vector<1x16xi32> to vector<16xi32>
        %parallel_loop3A_206 = vector.shape_cast %parallel_loop3A_201 : vector<16xi32> to vector<1x16xi32>
        tpu.vector_store %arg14[%parallel_loop3A_202, %parallel_loop3A_203], %parallel_loop3A_206 {strides = array<i32>} : memref<40x64xi32, #tpu.memory_space<vmem>>, vector<1x16xi32>,
        %parallel_loop3A_207 = tpu.bitcast %parallel_loop3A_133 : vector<16xf32> -> vector<16xi32>
        %parallel_loop3A_208 = arith.constant 16 : i32
        %parallel_loop3A_209 = vector.broadcast %parallel_loop3A_208 : i32 to vector<16xi32>
        %parallel_loop3A_210 = arith.shrui %parallel_loop3A_207, %parallel_loop3A_209 : vector<16xi32>
        %parallel_loop3A_211 = tpu.bitcast %parallel_loop3A_169 : vector<16xf32> -> vector<16xi32>
        %parallel_loop3A_212 = arith.constant -65536 : i32
        %parallel_loop3A_213 = vector.broadcast %parallel_loop3A_212 : i32 to vector<16xi32>
        %parallel_loop3A_214 = arith.andi %parallel_loop3A_211, %parallel_loop3A_213 : vector<16xi32>
        %parallel_loop3A_215 = arith.ori %parallel_loop3A_210, %parallel_loop3A_214 : vector<16xi32>
        %parallel_loop3A_216 = arith.index_cast %parallel_loop3A_106 : i32 to index
        %parallel_loop3A_217 = arith.constant 32 : index
        %parallel_loop3A_218 = tpu.vector_load %arg14[%parallel_loop3A_216, %parallel_loop3A_217] {strides = array<i32>} : memref<40x64xi32, #tpu.memory_space<vmem>>, vector<1x16xi32>,
        %parallel_loop3A_219 = vector.shape_cast %parallel_loop3A_218 : vector<1x16xi32> to vector<16xi32>
        %parallel_loop3A_220 = vector.shape_cast %parallel_loop3A_215 : vector<16xi32> to vector<1x16xi32>
        tpu.vector_store %arg14[%parallel_loop3A_216, %parallel_loop3A_217], %parallel_loop3A_220 {strides = array<i32>} : memref<40x64xi32, #tpu.memory_space<vmem>>, vector<1x16xi32>,
        %parallel_loop3A_221 = tpu.bitcast %parallel_loop3A_142 : vector<16xf32> -> vector<16xi32>
        %parallel_loop3A_222 = arith.constant 16 : i32
        %parallel_loop3A_223 = vector.broadcast %parallel_loop3A_222 : i32 to vector<16xi32>
        %parallel_loop3A_224 = arith.shrui %parallel_loop3A_221, %parallel_loop3A_223 : vector<16xi32>
        %parallel_loop3A_225 = tpu.bitcast %parallel_loop3A_178 : vector<16xf32> -> vector<16xi32>
        %parallel_loop3A_226 = arith.constant -65536 : i32
        %parallel_loop3A_227 = vector.broadcast %parallel_loop3A_226 : i32 to vector<16xi32>
        %parallel_loop3A_228 = arith.andi %parallel_loop3A_225, %parallel_loop3A_227 : vector<16xi32>
        %parallel_loop3A_229 = arith.ori %parallel_loop3A_224, %parallel_loop3A_228 : vector<16xi32>
        %parallel_loop3A_230 = arith.index_cast %parallel_loop3A_106 : i32 to index
        %parallel_loop3A_231 = arith.constant 48 : index
        %parallel_loop3A_232 = tpu.vector_load %arg14[%parallel_loop3A_230, %parallel_loop3A_231] {strides = array<i32>} : memref<40x64xi32, #tpu.memory_space<vmem>>, vector<1x16xi32>,
        %parallel_loop3A_233 = vector.shape_cast %parallel_loop3A_232 : vector<1x16xi32> to vector<16xi32>
        %parallel_loop3A_234 = vector.shape_cast %parallel_loop3A_229 : vector<16xi32> to vector<1x16xi32>
        tpu.vector_store %arg14[%parallel_loop3A_230, %parallel_loop3A_231], %parallel_loop3A_234 {strides = array<i32>} : memref<40x64xi32, #tpu.memory_space<vmem>>, vector<1x16xi32>,
      } {sc.loop_unroll_factor = 4 : i64, sc.parallel_access}
      %mul3A_92 = arith.constant 40 : i32
      %mul3A_93 = arith.muli %add3A_73, %mul3A_92 : i32
      %add3A_94 = arith.addi %mul3A_2, %mul3A_93 : i32
      %dma_start3A_95 = arith.constant 0 : i32
      %dma_start3A_96 = tpu.memref_slice %arg6[%add3A_94, %dma_start3A_95] : memref<320000x64xi32, #tpu.memory_space<hbm>> -> memref<40x64xi32, #tpu.memory_space<hbm>>
      %dma_start3A_97 = arith.constant 0 : i32
      %dma_start3A_98 = tpu.memref_slice %arg6[%add3A_94, %dma_start3A_97] : memref<320000x64xi32, #tpu.memory_space<hbm>> -> memref<40x64xi32, #tpu.memory_space<hbm>>
      tpu.enqueue_dma source(%arg14 : memref<40x64xi32, #tpu.memory_space<vmem>>) target(%dma_start3A_98 : memref<40x64xi32, #tpu.memory_space<hbm>>) target_semaphore(%arg20 : memref<!tpu.dma_semaphore, #tpu.memory_space<semaphore_mem>>)
      %add3A_99 = arith.constant 2 : i32
      %add3A_100 = arith.addi %add3A_73, %add3A_99 : i32
      %lt3A_101 = arith.constant 250 : i32
      %lt3A_102 = arith.cmpi slt, %add3A_100, %lt3A_101 : i32
      %convert_element_type3A_103 = arith.extui %lt3A_102 : i1 to i32
      %cond3A_104 = arith.constant 0 : i32
      %cond3A_105 = arith.cmpi ne, %convert_element_type3A_103, %cond3A_104 : i32
      scf.if %cond3A_105 {
        %add3A_106 = arith.constant 2 : i32
        %add3A_107 = arith.addi %add3A_73, %add3A_106 : i32
        %mul3A_108 = arith.constant 40 : i32
        %mul3A_109 = arith.muli %add3A_107, %mul3A_108 : i32
        %dma_start3A_110 = tpu.memref_slice %arg7[%mul3A_109] : memref<10000xi32, #tpu.memory_space<vmem>> -> memref<40xi32, #tpu.memory_space<vmem>>
        %dma_start3A_111 = arith.constant 0 : i32
        %dma_start3A_112 = arith.constant 0 : i32
        %dma_start3A_113 = tpu.memref_slice %arg2[%dma_start3A_111, %dma_start3A_112] : memref<10000x128xf32, #tpu.memory_space<hbm>> -> memref<10000x128xf32, #tpu.memory_space<hbm>>
        tpu.enqueue_indirect_dma source(%dma_start3A_113 : memref<10000x128xf32, #tpu.memory_space<hbm>>) target(%arg12 : memref<40x128xf32, #tpu.memory_space<vmem>>) offsets(%dma_start3A_110 : memref<40xi32, #tpu.memory_space<vmem>>) semaphore(%arg18 : memref<!tpu.dma_semaphore, #tpu.memory_space<semaphore_mem>>)
        %dma_start3A_114 = tpu.memref_slice %arg8[%mul3A_109] : memref<10000xi32, #tpu.memory_space<vmem>> -> memref<40xi32, #tpu.memory_space<vmem>>
        %dma_start3A_115 = arith.constant 0 : i32
        %dma_start3A_116 = arith.constant 0 : i32
        %dma_start3A_117 = tpu.memref_slice %arg3[%dma_start3A_115, %dma_start3A_116] : memref<10000x128xf32, #tpu.memory_space<hbm>> -> memref<10000x128xf32, #tpu.memory_space<hbm>>
        tpu.enqueue_indirect_dma source(%dma_start3A_117 : memref<10000x128xf32, #tpu.memory_space<hbm>>) target(%arg13 : memref<40x128xf32, #tpu.memory_space<vmem>>) offsets(%dma_start3A_114 : memref<40xi32, #tpu.memory_space<vmem>>) semaphore(%arg19 : memref<!tpu.dma_semaphore, #tpu.memory_space<semaphore_mem>>)
      } else {
      }
    }
    %scan3A_26 = arith.constant 125 : i32
    %add3A_27 = arith.constant 9920 : i32
    %add3A_28 = arith.addi %mul3A_2, %add3A_27 : i32
    %dma_wait3A = arith.constant 0 : i32
    %dma_wait3A_29 = tpu.memref_slice %arg6[%add3A_28, %dma_wait3A] : memref<320000x64xi32, #tpu.memory_space<hbm>> -> memref<40x64xi32, #tpu.memory_space<hbm>>
    %dma_wait3A_30 = arith.constant 0 : i32
    %dma_wait3A_31 = tpu.memref_slice %arg6[%add3A_28, %dma_wait3A_30] : memref<320000x64xi32, #tpu.memory_space<hbm>> -> memref<40x64xi32, #tpu.memory_space<hbm>>
    tpu.wait_dma2 semaphore(%arg17 : memref<!tpu.dma_semaphore, #tpu.memory_space<semaphore_mem>>) src(%arg11 : memref<40x64xi32, #tpu.memory_space<vmem>>) dst(%dma_wait3A_31 : memref<40x64xi32, #tpu.memory_space<hbm>>)
    %add3A_32 = arith.constant 9960 : i32
    %add3A_33 = arith.addi %mul3A_2, %add3A_32 : i32
    %dma_wait3A_34 = arith.constant 0 : i32
    %dma_wait3A_35 = tpu.memref_slice %arg6[%add3A_33, %dma_wait3A_34] : memref<320000x64xi32, #tpu.memory_space<hbm>> -> memref<40x64xi32, #tpu.memory_space<hbm>>
    %dma_wait3A_36 = arith.constant 0 : i32
    %dma_wait3A_37 = tpu.memref_slice %arg6[%add3A_33, %dma_wait3A_36] : memref<320000x64xi32, #tpu.memory_space<hbm>> -> memref<40x64xi32, #tpu.memory_space<hbm>>
    tpu.wait_dma2 semaphore(%arg20 : memref<!tpu.dma_semaphore, #tpu.memory_space<semaphore_mem>>) src(%arg14 : memref<40x64xi32, #tpu.memory_space<vmem>>) dst(%dma_wait3A_37 : memref<40x64xi32, #tpu.memory_space<hbm>>)
    return
  }
}

module attributes {stable_mosaic.version = 14 : i64} {
  func.func @_proj_body(%arg0: memref<10000x128xf32, #tpu.memory_space<vmem>>, %arg1: memref<128x128xf32, #tpu.memory_space<vmem>>, %arg2: memref<128x128xf32, #tpu.memory_space<vmem>>, %arg3: memref<1x128xf32, #tpu.memory_space<vmem>>, %arg4: memref<10000x128xf32, #tpu.memory_space<vmem>>, %arg5: memref<10000x128xf32, #tpu.memory_space<vmem>>) attributes {dimension_semantics = [], scalar_prefetch = 0 : i64, scratch_operands = 0 : i64, tpu.core_type = #tpu.core_type<tc>} {
    %get3A = arith.constant 0 : index
    %get3A_0 = arith.constant 0 : index
    %get3A_1 = vector.load %arg0[%get3A, %get3A_0] : memref<10000x128xf32, #tpu.memory_space<vmem>>, vector<10000x128xf32>
    %get3A_2 = arith.constant 0 : index
    %get3A_3 = arith.constant 0 : index
    %get3A_4 = vector.load %arg1[%get3A_2, %get3A_3] : memref<128x128xf32, #tpu.memory_space<vmem>>, vector<128x128xf32>
    %dot_general3A = arith.constant dense<0.000000e+00> : vector<10000x128xf32>
    %dot_general3A_5 = tpu.matmul %get3A_1, %get3A_4, %dot_general3A {dimension_numbers = #tpu.dot_dimension_numbers<[1], [0], [0], [1], [0, 0, 1, 1], [], []>, transpose_lhs_hint = false} : vector<10000x128xf32>, vector<128x128xf32>, vector<10000x128xf32> -> vector<10000x128xf32>
    %get3A_6 = arith.constant 0 : index
    %get3A_7 = arith.constant 0 : index
    %get3A_8 = vector.load %arg3[%get3A_6, %get3A_7] : memref<1x128xf32, #tpu.memory_space<vmem>>, vector<1x128xf32>
    %add3A = vector.broadcast %get3A_8 : vector<1x128xf32> to vector<10000x128xf32>
    %add3A_9 = arith.addf %dot_general3A_5, %add3A : vector<10000x128xf32>
    %swap3A = arith.constant 0 : index
    %swap3A_10 = arith.constant 0 : index
    %swap3A_11 = vector.load %arg4[%swap3A, %swap3A_10] : memref<10000x128xf32, #tpu.memory_space<vmem>>, vector<10000x128xf32>
    tpu.vector_store %arg4[%swap3A, %swap3A_10], %add3A_9 {strides = array<i32>} : memref<10000x128xf32, #tpu.memory_space<vmem>>, vector<10000x128xf32>,
    %get3A_12 = arith.constant 0 : index
    %get3A_13 = arith.constant 0 : index
    %get3A_14 = vector.load %arg2[%get3A_12, %get3A_13] : memref<128x128xf32, #tpu.memory_space<vmem>>, vector<128x128xf32>
    %dot_general3A_15 = arith.constant dense<0.000000e+00> : vector<10000x128xf32>
    %dot_general3A_16 = tpu.matmul %get3A_1, %get3A_14, %dot_general3A_15 {dimension_numbers = #tpu.dot_dimension_numbers<[1], [0], [0], [1], [0, 0, 1, 1], [], []>, transpose_lhs_hint = false} : vector<10000x128xf32>, vector<128x128xf32>, vector<10000x128xf32> -> vector<10000x128xf32>
    %swap3A_17 = arith.constant 0 : index
    %swap3A_18 = arith.constant 0 : index
    %swap3A_19 = vector.load %arg5[%swap3A_17, %swap3A_18] : memref<10000x128xf32, #tpu.memory_space<vmem>>, vector<10000x128xf32>
    tpu.vector_store %arg5[%swap3A_17, %swap3A_18], %dot_general3A_16 {strides = array<i32>} : memref<10000x128xf32, #tpu.memory_space<vmem>>, vector<10000x128xf32>,
    return
  }
}

module attributes {stable_mosaic.version = 14 : i64} {
  func.func @_edge_out_body(%arg0: i32, %arg1: memref<8000x64xi32, #tpu.memory_space<vmem>>, %arg2: memref<8000x16xf32, #tpu.memory_space<vmem>>, %arg3: memref<16x128xf32, #tpu.memory_space<vmem>>, %arg4: memref<8000x128xf32, #tpu.memory_space<vmem>>) attributes {dimension_semantics = [#tpu.dimension_semantics<arbitrary>], iteration_bounds = array<i64: 40>, scalar_prefetch = 0 : i64, scratch_operands = 0 : i64, tpu.core_type = #tpu.core_type<tc>, window_params = [{transform_indices = @transform_0, window_bounds = array<i64: 8000, 64>}, {transform_indices = @transform_1, window_bounds = array<i64: 8000, 16>}, {pipeline_mode = #tpu.pipeline_mode<synchronous>, transform_indices = @transform_2, window_bounds = array<i64: 16, 128>}, {transform_indices = @transform_3, window_bounds = array<i64: 8000, 128>}]} {
    %get3A = arith.constant 0 : index
    %get3A_0 = arith.constant 0 : index
    %get3A_1 = vector.load %arg1[%get3A, %get3A_0] : memref<8000x64xi32, #tpu.memory_space<vmem>>, vector<8000x64xi32>
    %and3A = arith.constant 65535 : i32
    %and3A_2 = vector.broadcast %and3A : i32 to vector<8000x64xi32>
    %and3A_3 = arith.andi %get3A_1, %and3A_2 : vector<8000x64xi32>
    %convert_element_type3A = arith.trunci %and3A_3 : vector<8000x64xi32> to vector<8000x64xi16>
    %bitcast_convert_type3A = tpu.bitcast %convert_element_type3A : vector<8000x64xi16> -> vector<8000x64xbf16>
    %shift_right_logical3A = arith.constant 16 : i32
    %shift_right_logical3A_4 = vector.broadcast %shift_right_logical3A : i32 to vector<8000x64xi32>
    %shift_right_logical3A_5 = arith.shrui %get3A_1, %shift_right_logical3A_4 : vector<8000x64xi32>
    %convert_element_type3A_6 = arith.trunci %shift_right_logical3A_5 : vector<8000x64xi32> to vector<8000x64xi16>
    %bitcast_convert_type3A_7 = tpu.bitcast %convert_element_type3A_6 : vector<8000x64xi16> -> vector<8000x64xbf16>
    %get3A_8 = arith.constant 0 : index
    %get3A_9 = arith.constant 0 : index
    %get3A_10 = vector.load %arg2[%get3A_8, %get3A_9] : memref<8000x16xf32, #tpu.memory_space<vmem>>, vector<8000x16xf32>
    %convert_element_type3A_11 = arith.truncf %get3A_10 : vector<8000x16xf32> to vector<8000x16xbf16>
    %get3A_12 = arith.constant 0 : index
    %get3A_13 = arith.constant 0 : index
    %get3A_14 = vector.load %arg3[%get3A_12, %get3A_13] : memref<16x128xf32, #tpu.memory_space<vmem>>, vector<16x128xf32>
    %convert_element_type3A_15 = arith.truncf %get3A_14 : vector<16x128xf32> to vector<16x128xbf16>
    %dot_general3A = arith.constant dense<0.000000e+00> : vector<8000x128xf32>
    %dot_general3A_16 = tpu.matmul %convert_element_type3A_11, %convert_element_type3A_15, %dot_general3A {dimension_numbers = #tpu.dot_dimension_numbers<[1], [0], [0], [1], [0, 0, 1, 1], [], []>, transpose_lhs_hint = false} : vector<8000x16xbf16>, vector<16x128xbf16>, vector<8000x128xf32> -> vector<8000x128xf32>
    %convert_element_type3A_17 = arith.extf %bitcast_convert_type3A : vector<8000x64xbf16> to vector<8000x64xf32>
    %convert_element_type3A_18 = arith.extf %bitcast_convert_type3A_7 : vector<8000x64xbf16> to vector<8000x64xf32>
    %concatenate3A = tpu.concatenate %convert_element_type3A_17, %convert_element_type3A_18 in 1 : vector<8000x64xf32>, vector<8000x64xf32> -> vector<8000x128xf32>
    %add3A = arith.addf %dot_general3A_16, %concatenate3A : vector<8000x128xf32>
    %swap3A = arith.constant 0 : index
    %swap3A_19 = arith.constant 0 : index
    %swap3A_20 = vector.load %arg4[%swap3A, %swap3A_19] : memref<8000x128xf32, #tpu.memory_space<vmem>>, vector<8000x128xf32>
    tpu.vector_store %arg4[%swap3A, %swap3A_19], %add3A {strides = array<i32>} : memref<8000x128xf32, #tpu.memory_space<vmem>>, vector<8000x128xf32>,
    return
  }
  func.func @transform_0(%arg0: i32) -> (i32, i32) {
    %c0_i32 = arith.constant 0 : i32
    %c0_i32_0 = arith.constant 0 : i32
    return %arg0, %c0_i32 : i32, i32
  }
  func.func @transform_1(%arg0: i32) -> (i32, i32) {
    %c0_i32 = arith.constant 0 : i32
    %c0_i32_0 = arith.constant 0 : i32
    return %arg0, %c0_i32 : i32, i32
  }
  func.func @transform_2(%arg0: i32) -> (i32, i32) {
    %c0_i32 = arith.constant 0 : i32
    %c0_i32_0 = arith.constant 0 : i32
    %c0_i32_1 = arith.constant 0 : i32
    return %c0_i32, %c0_i32_0 : i32, i32
  }
  func.func @transform_3(%arg0: i32) -> (i32, i32) {
    %c0_i32 = arith.constant 0 : i32
    %c0_i32_0 = arith.constant 0 : i32
    return %arg0, %c0_i32 : i32, i32
  }
}

</mosaic_0001>

<sc_bundles>
// kernel: kernel.5.cloned.1.call-start
scs
__scs_entry_jumppad:
0x0: {  	(pc) =	sbr.rel $0x88, $3  }
0x1: {  	(tag) =	ssettag $0x0;
	lr =	simm.s32 $0x1  }
0x2: {  	[smem:$0x3F9A] =	sst lr;
	_ =	strace $0xD0000000  }
0x3: {  	_ = 	snop  }
0x4: {  	_ = 	snop  }
0x5: {  	_ = 	snop  }
0x6: {  	_ = 	snop  }
0x7: {  	_ = 	snop  }
__scs_overlays_trampoline_lowered:
0x8: {  	[smem:$0x3FA9] =	sst s0  }
0x9: {  	[smem:$0x3FAA] =	sst s1  }
0xa: {  	[smem:$0x3FAB] =	sst s2  }
0xb: {  	[smem:$0x3FAC] =	sst s3  }
0xc: {  	[smem:$0x3FAD] =	sst s4  }
0xd: {  	[smem:$0x3FAE] =	sst s5  }
0xe: {  	[smem:$0x3FAF] =	sst s6  }
0xf: {  	[smem:$0x3FB0] =	sst s7  }
0x10: {  	[smem:$0x3FB1] =	sst s8  }
0x11: {  	[smem:$0x3FB2] =	sst s9;
	s0 =	simm.s32 @!p0 $0x0  }
0x12: {  	s1 =	sld [smem:$0x3F98];
	s0 =	simm.s32 @p0 $0x1  }
0x13: {  	[smem:$0x3FB3] =	sst s0;
	s0 =	simm.s32 @!p1 $0x0  }
0x14: {  	s2 =	sld [smem:$0x3F97];
	s0 =	simm.s32 @p1 $0x1  }
0x15: {  	[smem:$0x3FB4] =	sst s0;
	s0 =	simm.s32 @!p2 $0x0  }
0x16: {  	s3 =	sld [smem:$0x3FDB];
	s0 =	simm.s32 @p2 $0x1  }
0x17: {  	s4 =	simm.s32 $0x1BF5;
	[smem:$0x3FB6] =	sst s0  }
0x18: {  	s0 =	sld [smem:$0x3F99];
	_ =	swait.ge [sflag:s4], $0x0  }
0x19: {  	s7 =	sld [smem:$0x3F9A]  }
0x1a: {  	s8 =	sadd.s32 $0xFFFFE003, lr  }
0x1b: {  	s9 =	sadd.s32 $0xFFFFFEF7, lr;
	s5 =	simm.s32 $0xFFFFFFFF;
	p2 =	slt.u32 s8, $0xFFFFF086  }
0x1c: {  	p1 =	slt.u32 s9, $0xF7A;
	s5 =	simm.s32 @!p2 $0x0  }
0x1d: {  	s5 =	simm.s32 @p1 $0x1;
	p0 =	seq.s32 s7, s2  }
0x1e: {  	s7 =	smul.u32 @!p0 $0xF7A, s2;
	p2 =	seq.s32 @!p0 s5, $0x0  }
0x1f: {  	s9 =	smul.u32 $0xF7A, s1;
	s8 =	simm.s32 @!p0 $0x1BF5;
	p2 =	por !p2, p0  }
0x20: {  	[sflag:s8] =	ssyncset.s32 @!p0 $0xFFFFF086;
	s6 =	sadd.s32 @!p0 s3, s7;
	s7 =	simm.s32 @!p0 $0x108  }
0x21: {  	s3 =	sadd.s32 s3, s9;
	s6 =	sadd.s32 @!p0 $0x88, s6;
	s7 =	simm.s32 @p2 $0x1082  }
0x22: {  	[simem:s7], [sflag:s8] =	dma.local @!p0 [hbm:s6], $0xF7A  }
0x23: {  	s9 =	sor.u32 $0xD0000000, s2;
	s6 =	simm.s32 $0x108;
	_ =	swait.ge @!p0 [sflag:s8], $0x0  }
0x24: {  	s3 =	sadd.s32 $0x88, s3;
	s6 =	simm.s32 @!p1 $0x1082;
	[sflag:s4] =	ssyncset.s32 $0xFFFFF086  }
0x25: {  	[simem:s6], [sflag:s4] =	dma.local [hbm:s3], $0xF7A  }
0x26: {  	[smem:$0x3F9A] =	sst s1;
	(tag) =	ssettag s2;
	_ =	strace s9  }
0x27: {  	s1 =	sld [smem:$0x3FAA]  }
0x28: {  	s2 =	sld [smem:$0x3FAB]  }
0x29: {  	s4 =	sld [smem:$0x3FAD]  }
0x2a: {  	p0 =	seq.s32 s5, $0x0;
	s5 =	sld [smem:$0x3FAE]  }
0x2b: {  	s6 =	sld [smem:$0x3FAF]  }
0x2c: {  	s7 =	sld [smem:$0x3FB0]  }
0x2d: {  	s3 =	simm.s32 $0x108;
	s8 =	sld [smem:$0x3FB1]  }
0x2e: {  	s3 =	simm.s32 @!p0 $0x1082;
	s9 =	sld [smem:$0x3FB2]  }
0x2f: {  	lr =	sadd.s32 s0, s3;
	s0 =	sld [smem:$0x3FA9]  }
0x30: {  	s3 =	sld [smem:$0x3FAC]  }
0x31: {  	[smem:$0x3FB5] =	sst s10  }
0x32: {  	s10 =	sld [smem:$0x3FB3];
	_ =	sdelay $0x3  }
0x33: {  	p0 =	seq.s32 s10, $0x1;
	s10 =	sld [smem:$0x3FB5];
	_ =	sdelay $0x3  }
0x34: {  	[smem:$0x3FB5] =	sst s10  }
0x35: {  	s10 =	sld [smem:$0x3FB4];
	_ =	sdelay $0x3  }
0x36: {  	p1 =	seq.s32 s10, $0x1;
	s10 =	sld [smem:$0x3FB5];
	_ =	sdelay $0x3  }
0x37: {  	[smem:$0x3FB5] =	sst s10  }
0x38: {  	s10 =	sld [smem:$0x3FB6]  }
0x39: {  	_ = 	snop;
	(pc) =	sbr.ind lr, $3  }
0x3a: {  	_ = 	snop  }
0x3b: {  	_ = 	snop  }
0x3c: {  	p2 =	seq.s32 s10, $0x1;
	s10 =	sld [smem:$0x3FB5]  }
0x3d: {  	_ =	shalt  }
0x3e: {  	_ =	shalt  }
0x3f: {  	_ =	shalt  }
0x40: {  	_ =	shalt  }
0x41: {  	_ =	shalt  }
0x42: {  	_ =	shalt  }
0x43: {  	_ =	shalt  }
0x44: {  	_ =	shalt  }
0x45: {  	_ =	shalt  }
0x46: {  	_ =	shalt  }
0x47: {  	_ =	shalt  }
0x48: {  	_ =	shalt  }
0x49: {  	_ =	shalt  }
0x4a: {  	_ =	shalt  }
0x4b: {  	_ =	shalt  }
0x4c: {  	_ =	shalt  }
0x4d: {  	_ =	shalt  }
0x4e: {  	_ =	shalt  }
0x4f: {  	_ =	shalt  }
0x50: {  	_ =	shalt  }
0x51: {  	_ =	shalt  }
0x52: {  	_ =	shalt  }
0x53: {  	_ =	shalt  }
0x54: {  	_ =	shalt  }
0x55: {  	_ =	shalt  }
0x56: {  	_ =	shalt  }
0x57: {  	_ =	shalt  }
0x58: {  	_ =	shalt  }
0x59: {  	_ =	shalt  }
0x5a: {  	_ =	shalt  }
0x5b: {  	_ =	shalt  }
0x5c: {  	_ =	shalt  }
0x5d: {  	_ =	shalt  }
0x5e: {  	_ =	shalt  }
0x5f: {  	_ =	shalt  }
0x60: {  	_ =	shalt  }
0x61: {  	_ =	shalt  }
0x62: {  	_ =	shalt  }
0x63: {  	_ =	shalt  }
0x64: {  	_ =	shalt  }
0x65: {  	_ =	shalt  }
0x66: {  	_ =	shalt  }
0x67: {  	_ =	shalt  }
0x68: {  	_ =	shalt  }
0x69: {  	_ =	shalt  }
0x6a: {  	_ =	shalt  }
0x6b: {  	_ =	shalt  }
0x6c: {  	_ =	shalt  }
0x6d: {  	_ =	shalt  }
0x6e: {  	_ =	shalt  }
0x6f: {  	_ =	shalt  }
0x70: {  	_ =	shalt  }
0x71: {  	_ =	shalt  }
0x72: {  	_ =	shalt  }
0x73: {  	_ =	shalt  }
0x74: {  	_ =	shalt  }
0x75: {  	_ =	shalt  }
0x76: {  	_ =	shalt  }
0x77: {  	_ =	shalt  }
0x78: {  	_ =	shalt  }
0x79: {  	_ =	shalt  }
0x7a: {  	_ =	shalt  }
0x7b: {  	_ =	shalt  }
0x7c: {  	_ =	shalt  }
0x7d: {  	_ =	shalt  }
0x7e: {  	_ =	shalt  }
0x7f: {  	_ =	shalt  }
0x80: {  	_ =	shalt  }
0x81: {  	_ =	shalt  }
0x82: {  	_ =	shalt  }
0x83: {  	_ =	shalt  }
0x84: {  	_ =	shalt  }
0x85: {  	_ =	shalt  }
0x86: {  	_ =	shalt  }
0x87: {  	_ =	shalt  }
.Lfunc_end0:
.L_simem_size_0:
called_computation_lowered:
.L_overlay_start_0:
0x88: {  	s2 =	sld [smem:$0x3FD9]  }
0x89: {  	s3 =	sld [smem:$0x3FFE];
	_ =	sdelay $0x1  }
0x8a: {  	s1 =	srdreg.scid  }
0x8b: {  	s0 =	sand.u32 $0x1, s1  }
0x8c: {  	s14 =	sshll.u32 s0, $0xA;
	s2 =	sadd.s32 s3, s2  }
0x8d: {  	s2 =	sadd.s32 s2, s14  }
0x8e: {  	[smem:$0x3FC1] =	sst s2  }
0x8f: {  	_ = 	snop  }
0x90: {  	s2 =	sld [smem:$0x3FD0];
	_ =	sdelay $0x2  }
0x91: {  	s15 =	simm.s32 $0xA;
	s4 =	simm.s32 $0x10  }
0x92: {  	[smem:s4], [sflag:s15] =	dma.local [hbm:s2], $0x1  }
0x93: {  	_ =	swait.eq [sflag:s15], $0x1  }
0x94: {  	s16 =	sld [smem:$0x10]  }
0x95: {  	s17 =	sld [smem:$0x11];
	[sflag:s15] =	ssyncset.done $0x0  }
0x96: {  	s5 =	sld [smem:$0x12];
	[sflag:s15] =	ssyncadd.s32 $0xFFFFFFFF  }
0x97: {  	s18 =	sld [smem:$0x13];
	(tm) =	ssettm $0x1  }
0x98: {  	s6 =	sld [smem:$0x3FFB];
	_ =	sdelay $0x3  }
0x99: {  	_ =	strace s6  }
0x9a: {  	s6 =	sld [smem:$0x3FFC];
	_ =	sdelay $0x3  }
0x9b: {  	_ =	strace s6  }
0x9c: {  	s6 =	sld [smem:$0x3FFD];
	_ =	sdelay $0x3  }
0x9d: {  	_ =	strace s6  }
0x9e: {  	_ =	strace $0x8FFFFFFF  }
0x9f: {  	s19 =	sld [smem:$0x3FDB];
	_ =	sdelay $0x1  }
0xa0: {  	s7 =	simm.s32 $_scs_section_size  }
0xa1: {  	s8 =	simm.s32 $_size__tile_overlayer_lowered;
	s9 =	simm.s32 $_tile_overlayer_lowered  }
0xa2: {  	s22 =	simm.s32 $0x1BFF;
	s21 =	sshll.u32 s9, $0x1;
	s6 =	sadd.s32 s7, s19  }
0xa3: {  	s10 =	simm.s32 $0x0;
	s20 =	sshll.u32 s8, $0x1;
	s8 =	sadd.s32 s21, s6  }
0xa4: {  	[timem:s10], [sflag:s22] =	dma.local [hbm:s8], s20  }
0xa5: {  	_ =	swait.ge [sflag:s22], s20  }
0xa6: {  	s7 =	ssub.s32 $0x0, s20;
	[sflag:s22] =	ssyncset.done $0x0  }
0xa7: {  	[sflag:s22] =	ssyncadd.s32 s7;
	_ =	sdelay $0x1  }
0xa8: {  	s23 =	simm.s32 $0x1B8B  }
0xa9: {  	_ =	swait.ge [sflag:s23], $0x1  }
0xaa: {  	[sflag:s23] =	ssyncset.done $0x0  }
0xab: {  	s25 =	simm.s32 $0x1B8E;
	s24 =	sld [smem:$0x3FFE];
	[sflag:s23] =	ssyncadd.s32 $0xFFFFFFFF  }
0xac: {  	s26 =	simm.s32 $execute0_lowered;
	[smem:$0x3FD2] =	sst s25  }
0xad: {  	s8 =	sshll.u32 s26, $0x1;
	_ =	strace $0x80000046;
	[dreg:$0x1] =	wrdreg $0xFFFFFFFF  }
0xae: {  	s28 =	simm.s32 $_size_execute0_lowered;
	s6 =	sadd.s32 s6, s8;
	[dreg:$0x0] =	wrdreg $0x0  }
0xaf: {  	s8 =	sshll.u32 s28, $0x1;
	[dreg:$0x2] =	wrdreg s6  }
0xb0: {  	[dreg:$0x3] =	wrdreg s8  }
0xb1: {  	[dreg:$0x4] =	wrdreg $0xC0  }
0xb2: {  	_ =	task [dreg:s10], $0x5FFFF  }
0xb3: {  	[dreg:$0x1] =	wrdreg $0xFFFFFFFF  }
0xb4: {  	[dreg:$0x0] =	wrdreg $0x60  }
0xb5: {  	[dreg:$0x2] =	wrdreg s16  }
0xb6: {  	[dreg:$0x3] =	wrdreg s17  }
0xb7: {  	[dreg:$0x4] =	wrdreg s5  }
0xb8: {  	[dreg:$0x5] =	wrdreg s18  }
0xb9: {  	[dreg:$0x6] =	wrdreg s24  }
0xba: {  	[dreg:$0x7] =	wrdreg $0x9  }
0xbb: {  	_ =	task.clear_ibuf [dreg:s10], $0x8FFFF;
	_ =	strace $0x90000046  }
0xbc: {  	s29 =	simm.s32 $0x9;
	_ =	strace $0x80000048  }
0xbd: {  	_ =	swait.ge [sflag:s29], $0x1  }
0xbe: {  	[sflag:s29] =	ssyncadd.s32 $0xFFFFFFFF  }
0xbf: {  	_ =	strace $0x90000048  }
0xc0: {  	_ =	sfence  }
0xc1: {  	s30 =	sld [smem:$0x0];
	_ =	sdelay $0x2  }
0xc2: {  	s31 =	sshll.u32 s1, $0xD;
	s1 =	sshrl.u32 s1, $0x2  }
0xc3: {  	s3 =	sand.u32 $0x4000, s31;
	s1 =	sadd.s32 s1, s30  }
0xc4: {  	s0 =	sor.u32 s3, s0;
	s1 =	sshll.u32 s1, $0x11  }
0xc5: {  	s0 =	sor.u32 s1, s0  }
0xc6: {  	s0 =	sadd.s32 $0x8F2B, s0  }
0xc7: {  	[sflag:s0] =	ssyncadd.remote.s32 $0x1  }
0xc8: {  	_ =	sfence.sel $0xFFFF  }
0xc9: {  	[dreg:$0x0] =	wrdreg $0xFFFFFFFF;
	(pc) =	sbr.abs _section_cstart, $3  }
0xca: {  	[dreg:$0x1] =	wrdreg $0xFFFFFFFF  }
0xcb: {  	_ =	task.clear_ibuf [dreg:s10], $0x2FFFF;
	_ =	strace $0x9FFFFFFF  }
0xcc: {  	(tm) =	ssettm $0x7FFFFFFF  }
0xcd: {  	_ =	shalt  }
tec
execute0_lowered:
.L_overlay_start_1:
0x0: {  	(tag) =	ssettag $0x1  }
0x1: {  	s0 =	rddreg [dreg:$0x0]  }
0x2: {  	s2 =	rddreg [dreg:$0x1]  }
0x3: {  	s1 =	rddreg [dreg:$0x2]  }
0x4: {  	s3 =	rddreg [dreg:$0x3];
	s4 =	srdreg.scid  }
0x5: {  	s7 =	stileid.u32;
	s6 =	rddreg [dreg:$0x4]  }
0x6: {  	s11 =	simm.s32 $0x7;
	s12 =	simm.s32 $0x2780;
	s13 =	simm.s32 $0x28  }
0x7: {  	s15 =	simm.s32 $0x6300;
	s16 =	simm.s32 $0x8B00;
	s17 =	simm.s32 $0x27A8  }
0x8: {  	s18 =	simm.s32 $0x9F00;
	s19 =	simm.s32 $0x1;
	s20 =	simm.s32 $0x2  }
0x9: {  	s21 =	simm.s32 $0x7700;
	s22 =	simm.s32 $0x4;
	s23 =	simm.s32 $0x5  }
0xa: {  	s24 =	simm.s32 $0xB300;
	s25 =	simm.s32 $0x3;
	s26 =	simm.s32 $0x6  }
0xb: {  	s28 =	simm.s32 $0x0;
	s5 =	sand.u32 $0x1, s4;
	s7 =	sshll.u32 s7, $0x1  }
.Ltmp0:
0xc: {  	s4 =	simm.s32 $0x0;
	s7 =	sor.u32 s5, s7;
	(pc) =	sbr.rel .LBB2_1-.Ltmp0, $4  }
0xd: {  	[smem:$0x7FF] =	sst s4;
	s8 =	ssub.s32 $0x2, s5;
	s5 =	smul.u32 $0x2710, s7  }
0xe: {  	s6 =	sadd.s32 $0x1000, s6;
	_ =	strace $0x80000047;
	s30 =	sshrl.u32 s8, $0x1  }
0xf: {  	s10 =	ssub.s32 s8, s30;
	s31 =	sshrl.u32 s5, $0x3;
	s9 =	sadd.s32 $0x28, s5  }
0x10: {  	s10 =	smax.u32 s10, $0x1;
	s7 =	sadd.s32 s1, s31;
	s8 =	sadd.s32 s3, s31  }
.LBB2_8:
0x11: {  	s28 =	sadd.s32 $0x1, s28  }
0x12: {  	_ =	swait.ge [sflag:s25], $0x1400;
	p0 =	sne.s32 s28, s10  }
.Ltmp1:
0x13: {  	[sflag:s25] =	ssyncset.done $0x0;
	(pc) =	sbr.rel @!p0 .LBB2_9-.Ltmp1, $4  }
0x14: {  	[sflag:s25] =	ssyncadd.s32 $0xFFFFEC00  }
0x15: {  	_ =	swait.ge [sflag:s26], $0x1400  }
0x16: {  	[sflag:s26] =	ssyncset.done $0x0  }
0x17: {  	[sflag:s26] =	ssyncadd.s32 $0xFFFFEC00  }
.LBB2_1:
0x18: {  	[tilespmem:s4], [sflag:$0x7] =	stream.linear.gather [hbm4b:s7+s4], $0x2710, $0x38;
	[tilespmem:$0xC700] =	vst v63  }
0x19: {  	_ =	swait.ge [sflag:s11], $0x2710  }
0x1a: {  	[sflag:s11] =	ssyncset.done $0x0  }
0x1b: {  	[sflag:s11] =	ssyncadd.s32 $0xFFFFD8F0  }
0x1c: {  	[tilespmem:s12], [sflag:$0x7] =	stream.linear.gather [hbm4b:s8+s4], $0x2710, $0x38;
	[tilespmem:$0xC700] =	vst v63  }
0x1d: {  	_ =	swait.ge [sflag:s11], $0x2710  }
0x1e: {  	[sflag:s11] =	ssyncset.done $0x0  }
0x1f: {  	s1 =	simm.s32 $0x4F00;
	[sflag:s11] =	ssyncadd.s32 $0xFFFFD8F0  }
0x20: {  	[tilespmem:s1], [sflag:$0x1] =	stream.indirect.gather [hbm4b:s0+s13], $0x80, s4, s13, $0xb8;
	[tilespmem:$0xC700] =	vst v63  }
0x21: {  	_ = 	snop  }
0x22: {  	[tilespmem:s15], [sflag:$0x2] =	stream.indirect.gather [hbm4b:s2+s13], $0x80, s12, s13, $0xb8;
	[tilespmem:$0xC700] =	vst v63  }
0x23: {  	_ = 	snop  }
0x24: {  	[tilespmem:s16], [sflag:$0x4] =	stream.indirect.gather [hbm4b:s0+s13], $0x80, s13, s13, $0xb8;
	[tilespmem:$0xC700] =	vst v63  }
0x25: {  	s29 =	simm.s32 $0x0  }
0x26: {  	[tilespmem:s18], [sflag:$0x5] =	stream.indirect.gather [hbm4b:s2+s13], $0x80, s17, s13, $0xb8;
	[tilespmem:$0xC700] =	vst v63  }
.LBB2_2:
0x27: {  	_ =	swait.ge [sflag:s19], $0x1400  }
0x28: {  	[sflag:s19] =	ssyncset.done $0x0  }
0x29: {  	[sflag:s19] =	ssyncadd.s32 $0xFFFFEC00  }
0x2a: {  	_ =	swait.ge [sflag:s20], $0x1400  }
0x2b: {  	p0 =	seq.s32 s29, $0x0;
	[sflag:s20] =	ssyncset.done $0x0  }
0x2c: {  	s1 =	simm.s32 @!p0 $0x3;
	[sflag:s20] =	ssyncadd.s32 $0xFFFFEC00  }
0x2d: {  	_ =	swait.ge @!p0 [sflag:s1], $0x1400  }
0x2e: {  	[sflag:s1] =	ssyncset.done @!p0 $0x0  }
0x2f: {  	s14 =	simm.s32 $0x5000;
	[sflag:s1] =	ssyncadd.s32 @!p0 $0xFFFFEC00  }
0x30: {  	s30 =	simm.s32 $0x6400;
	v1 =	vld [tilespmem:s14+$0x80]  }
0x31: {  	v2 =	vld [tilespmem:s30+$0x80]  }
0x32: {  	v3 =	vld [tilespmem:s14+$0x90]  }
0x33: {  	v4 =	vld [tilespmem:s14+$0xB0]  }
0x34: {  	v5 =	vld [tilespmem:s30+$0xB0]  }
0x35: {  	v6 =	vld [tilespmem:s14+$0xF0]  }
0x36: {  	v7 =	vld [tilespmem:s30+$0xF0]  }
0x37: {  	v8 =	vld [tilespmem:s30+$0x90]  }
0x38: {  	v9 =	vld [tilespmem:s14+$0xA0]  }
0x39: {  	v10 =	vld [tilespmem:s30+$0xA0]  }
0x3a: {  	v11 =	vld [tilespmem:s14+$0xC0]  }
0x3b: {  	v12 =	vld [tilespmem:s30+$0xC0]  }
0x3c: {  	v13 =	vld [tilespmem:s14+$0xD0]  }
0x3d: {  	v14 =	vld [tilespmem:s30+$0xD0]  }
0x3e: {  	v15 =	vld [tilespmem:s14+$0xE0]  }
0x3f: {  	v16 =	vld [tilespmem:s30+$0xE0]  }
0x40: {  	v17 =	vld [tilespmem:s14+$0xFFFFFF10]  }
0x41: {  	v18 =	vld [tilespmem:s30+$0xFFFFFF10]  }
0x42: {  	v19 =	vld [tilespmem:s14+$0xFFFFFF20]  }
0x43: {  	v20 =	vld [tilespmem:s30+$0xFFFFFF20]  }
0x44: {  	v21 =	vld [tilespmem:s14+$0xFFFFFF30]  }
0x45: {  	v22 =	vld [tilespmem:s30+$0xFFFFFF30]  }
0x46: {  	v23 =	vld [tilespmem:s14+$0xFFFFFF40]  }
0x47: {  	v24 =	vld [tilespmem:s30+$0xFFFFFF40]  }
0x48: {  	v25 =	vld [tilespmem:s14+$0xFFFFFF50]  }
0x49: {  	v26 =	vld [tilespmem:s30+$0xFFFFFF50]  }
0x4a: {  	v27 =	vld [tilespmem:s14+$0xFFFFFF60]  }
0x4b: {  	v28 =	vld [tilespmem:s30+$0xFFFFFF60]  }
0x4c: {  	v29 =	vld [tilespmem:s14+$0xFFFFFF70]  }
0x4d: {  	v30 =	vld [tilespmem:s30+$0xFFFFFF70]  }
0x4e: {  	v31 =	vld [tilespmem:s14+$0xFFFFFF80]  }
0x4f: {  	v32 =	vld [tilespmem:s30+$0xFFFFFF80]  }
0x50: {  	v33 =	vld [tilespmem:s14+$0xFFFFFF90]  }
0x51: {  	v34 =	vld [tilespmem:s30+$0xFFFFFF90]  }
0x52: {  	v35 =	vld [tilespmem:s14+$0xFFFFFFA0]  }
0x53: {  	v36 =	vld [tilespmem:s30+$0xFFFFFFA0]  }
0x54: {  	v37 =	vld [tilespmem:s14+$0xFFFFFFB0]  }
0x55: {  	v38 =	vld [tilespmem:s30+$0xFFFFFFB0]  }
0x56: {  	v39 =	vld [tilespmem:s14+$0xFFFFFFC0]  }
0x57: {  	v40 =	vld [tilespmem:s30+$0xFFFFFFC0]  }
0x58: {  	v49 =	vld [tilespmem:s30+$0x0];
	v1 =	vadd.f32 v2, v1;
	v2 =	vadd.f32 v5, v4  }
0x59: {  	v50 =	vld [tilespmem:s14+$0x10];
	v4 =	vadd.f32 v7, v6;
	v3 =	vadd.f32 v8, v3  }
0x5a: {  	v53 =	vld [tilespmem:s30+$0x10];
	v6 =	vadd.f32 v12, v11;
	v8 =	vadd.f32 v10, v9  }
0x5b: {  	v54 =	vld [tilespmem:s14+$0x20];
	v10 =	vadd.f32 v14, v13;
	v12 =	vadd.f32 v18, v17  }
0x5c: {  	v56 =	vld [tilespmem:s30+$0x20];
	v14 =	vadd.f32 v26, v25;
	v51 =	vadd.f32 v22, v21  }
0x5d: {  	v58 =	vld [tilespmem:s14+$0x30];
	v52 =	vadd.f32 v24, v23;
	v55 =	vadd.f32 v34, v33  }
0x5e: {  	v5 =	vld [tilespmem:s14+$0xFFFFFFD0];
	v57 =	vadd.f32 v36, v35;
	v59 =	vadd.f32 v40, v39  }
0x5f: {  	v7 =	vld [tilespmem:s30+$0xFFFFFFD0];
	v2 =	vshrl.u32 v2, $0x10;
	v4 =	vand.u32 $0xFFFF0000, v4;
	v1 =	vshrl.u32 v1, $0x10  }
0x60: {  	v9 =	vld [tilespmem:s14+$0xFFFFFFE0];
	v3 =	vshrl.u32 v3, $0x10;
	v8 =	vshrl.u32 v8, $0x10;
	v10 =	vand.u32 $0xFFFF0000, v10  }
0x61: {  	v11 =	vld [tilespmem:s14+$0xFFFFFFF0];
	v14 =	vand.u32 $0xFFFF0000, v14;
	v4 =	vor.u32 v2, v4;
	v2 =	vand.u32 $0xFFFF0000, v6  }
0x62: {  	v13 =	vld [tilespmem:s30+$0xFFFFFFF0];
	v10 =	vor.u32 v3, v10;
	v3 =	vshrl.u32 v12, $0x10;
	v12 =	vadd.f32 v28, v27  }
0x63: {  	v18 =	vshrl.u32 v51, $0x10;
	v6 =	vld [tilespmem:s30+$0xFFFFFFE0];
	v1 =	vor.u32 v1, v2;
	v2 =	vadd.f32 v16, v15  }
0x64: {  	v60 =	vld [tilespmem:s30+$0x30];
	v14 =	vor.u32 v3, v14;
	v3 =	vadd.f32 v30, v29;
	v12 =	vand.u32 $0xFFFF0000, v12  }
0x65: {  	s31 =	simm.s32 $0x7800;
	v61 =	vld [tilespmem:s30+$0x40];
	v5 =	vadd.f32 v7, v5;
	v7 =	vshrl.u32 v55, $0x10;
	v2 =	vand.u32 $0xFFFF0000, v2  }
0x66: {  	v62 =	vld [tilespmem:s30+$0x50];
	[tilespmem:s31+$0x90] =	vst v10;
	v3 =	vand.u32 $0xFFFF0000, v3;
	v8 =	vor.u32 v8, v2;
	v2 =	vadd.f32 v20, v19  }
0x67: {  	[tilespmem:s31+$0x80] =	vst v1;
	v1 =	vadd.f32 v38, v37;
	v10 =	vadd.f32 v13, v11;
	v13 =	vld [tilespmem:s14+$0x50];
	v3 =	vor.u32 v18, v3  }
0x68: {  	v5 =	vand.u32 $0xFFFF0000, v5;
	v6 =	vadd.f32 v6, v9;
	v9 =	vld [tilespmem:s14+$0x40];
	v2 =	vshrl.u32 v2, $0x10  }
0x69: {  	v15 =	vld [tilespmem:s14+$0x0];
	v5 =	vor.u32 v7, v5;
	v2 =	vor.u32 v2, v12;
	v12 =	vadd.f32 v32, v31  }
0x6a: {  	v18 =	vand.u32 $0xFFFF0000, v59;
	v1 =	vshrl.u32 v1, $0x10;
	[tilespmem:s31+$0xFFFFFF90] =	vst v5;
	v5 =	vadd.f32 v53, v50  }
0x6b: {  	v0 =	vld [tilespmem:s30+$0xFFFFFF00];
	[tilespmem:s31+$0xB0] =	vst v4;
	v6 =	vand.u32 $0xFFFF0000, v6;
	v4 =	vshrl.u32 v12, $0x10;
	v12 =	vshrl.u32 v57, $0x10  }
0x6c: {  	v11 =	vld [tilespmem:s30+$0x60];
	[tilespmem:s31+$0xA0] =	vst v8;
	v13 =	vadd.f32 v62, v13;
	v4 =	vor.u32 v4, v18;
	v6 =	vor.u32 v12, v6  }
0x6d: {  	v7 =	vld [tilespmem:s14+$0x60];
	v12 =	vadd.f32 v56, v54;
	v63 =	vadd.f32 v61, v9;
	[tilespmem:s31+$0xFFFFFF80] =	vst v4;
	v4 =	vand.u32 $0xFFFF0000, v10  }
0x6e: {  	v8 =	vld [tilespmem:s14+$0x70];
	v10 =	vadd.f32 v49, v15;
	[tilespmem:s31+$0xFFFFFFA0] =	vst v6;
	v15 =	vadd.f32 v60, v58;
	v4 =	vor.u32 v1, v4  }
0x6f: {  	v6 =	vshrl.u32 v5, $0x10;
	v1 =	vand.u32 $0xFFFF0000, v52;
	v5 =	vshrl.u32 v12, $0x10;
	v12 =	vld [tilespmem:s30+$0x70];
	[tilespmem:s31+$0xFFFFFFB0] =	vst v4  }
0x70: {  	s3 =	simm.s32 $0x0;
	s1 =	simm.s32 $0x5200;
	v9 =	vshrl.u32 v10, $0x10;
	v10 =	vld [tilespmem:s14+$0xFFFFFF00];
	v4 =	vshrl.u32 v15, $0x10;
	[tilespmem:s31+$0xFFFFFF10] =	vst v14;
	v14 =	vand.u32 $0xFFFF0000, v63  }
.LBB2_3:
0x71: {  	v15 =	vld [tilespmem:s1+$0x80];
	[tilespmem:s31+$0xFFFFFF20] =	vst v2;
	v2 =	vor.u32 v9, v14;
	s30 =	sadd.s32 $0x200, s30  }
0x72: {  	v9 =	vld [tilespmem:s30+$0x80];
	[tilespmem:s31+$0xFFFFFF30] =	vst v3;
	v3 =	vadd.f32 v11, v7;
	v7 =	vand.u32 $0xFFFF0000, v13  }
0x73: {  	v11 =	vld [tilespmem:s1+$0x90];
	[tilespmem:s31+$0x0] =	vst v2;
	v2 =	vor.u32 v6, v7  }
0x74: {  	v6 =	vld [tilespmem:s1+$0xB0];
	v7 =	vadd.f32 v12, v8;
	[tilespmem:s31+$0x10] =	vst v2;
	v2 =	vand.u32 $0xFFFF0000, v3  }
0x75: {  	v3 =	vld [tilespmem:s30+$0xB0];
	v0 =	vadd.f32 v0, v10;
	v2 =	vor.u32 v5, v2  }
0x76: {  	v5 =	vld [tilespmem:s1+$0xF0];
	[tilespmem:s31+$0x20] =	vst v2;
	v2 =	vand.u32 $0xFFFF0000, v7  }
0x77: {  	s3 =	sadd.s32 $0x4, s3;
	v7 =	vadd.f32 v9, v15;
	v8 =	vld [tilespmem:s30+$0xF0];
	v0 =	vshrl.u32 v0, $0x10;
	v2 =	vor.u32 v4, v2  }
0x78: {  	p1 =	slt.u32 s3, $0x24;
	v4 =	vld [tilespmem:s30+$0x90];
	v0 =	vor.u32 v0, v1;
	[tilespmem:s31+$0x30] =	vst v2  }
0x79: {  	v1 =	vld [tilespmem:s1+$0xA0];
	v2 =	vshrl.u32 v7, $0x10;
	[tilespmem:s31+$0xFFFFFF00] =	vst v0  }
0x7a: {  	v0 =	vld [tilespmem:s30+$0xA0]  }
0x7b: {  	v7 =	vld [tilespmem:s1+$0xC0]  }
0x7c: {  	v3 =	vadd.f32 v3, v6;
	v6 =	vld [tilespmem:s30+$0xC0];
	v5 =	vadd.f32 v8, v5  }
0x7d: {  	v4 =	vadd.f32 v4, v11;
	v8 =	vld [tilespmem:s1+$0xD0]  }
0x7e: {  	v3 =	vshrl.u32 v3, $0x10;
	v9 =	vld [tilespmem:s30+$0xD0];
	v5 =	vand.u32 $0xFFFF0000, v5  }
0x7f: {  	s31 =	sadd.s32 $0x200, s31;
	v1 =	vadd.f32 v0, v1;
	v10 =	vld [tilespmem:s1+$0xE0];
	v4 =	vshrl.u32 v4, $0x10;
	v0 =	vor.u32 v3, v5  }
0x80: {  	v3 =	vld [tilespmem:s30+$0xE0];
	[tilespmem:s31+$0xB0] =	vst v0  }
0x81: {  	v0 =	vld [tilespmem:s30+$0xFFFFFF00];
	v5 =	vadd.f32 v6, v7;
	v1 =	vshrl.u32 v1, $0x10  }
0x82: {  	v6 =	vld [tilespmem:s1+$0xFFFFFF10]  }
0x83: {  	v7 =	vld [tilespmem:s30+$0xFFFFFF10];
	v8 =	vadd.f32 v9, v8;
	v5 =	vand.u32 $0xFFFF0000, v5  }
0x84: {  	v9 =	vld [tilespmem:s1+$0xFFFFFF20];
	v2 =	vor.u32 v2, v5  }
0x85: {  	v5 =	vld [tilespmem:s30+$0xFFFFFF20];
	v3 =	vadd.f32 v3, v10;
	[tilespmem:s31+$0x80] =	vst v2;
	v2 =	vand.u32 $0xFFFF0000, v8  }
0x86: {  	v8 =	vld [tilespmem:s1+$0xFFFFFF30];
	v2 =	vor.u32 v4, v2  }
0x87: {  	v4 =	vld [tilespmem:s30+$0xFFFFFF30];
	[tilespmem:s31+$0x90] =	vst v2;
	v2 =	vand.u32 $0xFFFF0000, v3  }
0x88: {  	v3 =	vadd.f32 v7, v6;
	v6 =	vld [tilespmem:s1+$0xFFFFFF40];
	v1 =	vor.u32 v1, v2  }
0x89: {  	v2 =	vld [tilespmem:s30+$0xFFFFFF40];
	[tilespmem:s31+$0xA0] =	vst v1  }
0x8a: {  	v1 =	vadd.f32 v5, v9;
	v5 =	vld [tilespmem:s1+$0xFFFFFF50];
	v3 =	vshrl.u32 v3, $0x10  }
0x8b: {  	v7 =	vld [tilespmem:s30+$0xFFFFFF50]  }
0x8c: {  	v4 =	vadd.f32 v4, v8;
	v8 =	vld [tilespmem:s1+$0xFFFFFF60];
	v9 =	vshrl.u32 v1, $0x10  }
0x8d: {  	v10 =	vld [tilespmem:s30+$0xFFFFFF60]  }
0x8e: {  	v1 =	vadd.f32 v2, v6;
	v2 =	vld [tilespmem:s1+$0xFFFFFF70];
	v4 =	vshrl.u32 v4, $0x10  }
0x8f: {  	v6 =	vld [tilespmem:s30+$0xFFFFFF70]  }
0x90: {  	v5 =	vadd.f32 v7, v5;
	v1 =	vand.u32 $0xFFFF0000, v1;
	v7 =	vld [tilespmem:s1+$0xFFFFFF80]  }
0x91: {  	v11 =	vld [tilespmem:s30+$0xFFFFFF80]  }
0x92: {  	v8 =	vadd.f32 v10, v8;
	v5 =	vand.u32 $0xFFFF0000, v5;
	v10 =	vld [tilespmem:s1+$0xFFFFFF90]  }
0x93: {  	v13 =	vor.u32 v3, v5;
	v5 =	vld [tilespmem:s30+$0xFFFFFF90]  }
0x94: {  	v3 =	vadd.f32 v6, v2;
	v2 =	vand.u32 $0xFFFF0000, v8;
	v6 =	vld [tilespmem:s1+$0xFFFFFFA0]  }
0x95: {  	v2 =	vor.u32 v9, v2;
	v8 =	vld [tilespmem:s30+$0xFFFFFFA0]  }
0x96: {  	v3 =	vand.u32 $0xFFFF0000, v3;
	v7 =	vadd.f32 v11, v7;
	v9 =	vld [tilespmem:s1+$0xFFFFFFB0]  }
0x97: {  	v3 =	vor.u32 v4, v3;
	v4 =	vld [tilespmem:s30+$0xFFFFFFB0]  }
0x98: {  	v5 =	vadd.f32 v5, v10;
	v10 =	vld [tilespmem:s1+$0xFFFFFFC0];
	v7 =	vshrl.u32 v7, $0x10  }
0x99: {  	v11 =	vld [tilespmem:s30+$0xFFFFFFC0]  }
0x9a: {  	v6 =	vadd.f32 v8, v6;
	v8 =	vld [tilespmem:s1+$0xFFFFFFD0];
	v5 =	vshrl.u32 v5, $0x10  }
0x9b: {  	v12 =	vld [tilespmem:s30+$0xFFFFFFD0]  }
0x9c: {  	v4 =	vadd.f32 v4, v9;
	v9 =	vld [tilespmem:s1+$0xFFFFFFE0];
	v6 =	vshrl.u32 v6, $0x10  }
0x9d: {  	v14 =	vld [tilespmem:s30+$0xFFFFFFE0]  }
0x9e: {  	v10 =	vadd.f32 v11, v10;
	v11 =	vld [tilespmem:s1+$0xFFFFFFF0];
	v4 =	vshrl.u32 v4, $0x10  }
0x9f: {  	v15 =	vld [tilespmem:s30+$0xFFFFFFF0]  }
0xa0: {  	v8 =	vadd.f32 v12, v8;
	v10 =	vand.u32 $0xFFFF0000, v10;
	v12 =	vld [tilespmem:s1+$0x0]  }
0xa1: {  	v7 =	vor.u32 v7, v10;
	v10 =	vld [tilespmem:s30+$0x0]  }
0xa2: {  	v9 =	vadd.f32 v14, v9;
	[tilespmem:s31+$0xFFFFFF80] =	vst v7;
	v7 =	vand.u32 $0xFFFF0000, v8;
	v8 =	vld [tilespmem:s1+$0x10]  }
0xa3: {  	v5 =	vor.u32 v5, v7;
	v7 =	vld [tilespmem:s30+$0x10]  }
0xa4: {  	v11 =	vadd.f32 v15, v11;
	[tilespmem:s31+$0xFFFFFF90] =	vst v5;
	v5 =	vand.u32 $0xFFFF0000, v9;
	v14 =	vld [tilespmem:s1+$0x20]  }
0xa5: {  	v5 =	vor.u32 v6, v5;
	v6 =	vld [tilespmem:s30+$0x20]  }
0xa6: {  	[tilespmem:s31+$0xFFFFFFA0] =	vst v5;
	v5 =	vand.u32 $0xFFFF0000, v11;
	v9 =	vadd.f32 v10, v12;
	v10 =	vld [tilespmem:s1+$0x30]  }
0xa7: {  	v4 =	vor.u32 v4, v5;
	v5 =	vld [tilespmem:s30+$0x30]  }
0xa8: {  	[tilespmem:s31+$0xFFFFFFB0] =	vst v4;
	v4 =	vadd.f32 v7, v8;
	v8 =	vld [tilespmem:s1+$0x40];
	v9 =	vshrl.u32 v9, $0x10  }
0xa9: {  	v12 =	vld [tilespmem:s30+$0x40]  }
0xaa: {  	v11 =	vadd.f32 v6, v14;
	v14 =	vld [tilespmem:s1+$0x50];
	v6 =	vshrl.u32 v4, $0x10  }
0xab: {  	v15 =	vld [tilespmem:s30+$0x50]  }
.Ltmp2:
0xac: {  	v4 =	vadd.f32 v5, v10;
	v7 =	vld [tilespmem:s1+$0x60];
	v5 =	vshrl.u32 v11, $0x10;
	(pc) =	sbr.rel @p1 .LBB2_3-.Ltmp2, $4  }
0xad: {  	v11 =	vld [tilespmem:s30+$0x60]  }
0xae: {  	v16 =	vadd.f32 v12, v8;
	v8 =	vld [tilespmem:s1+$0x70];
	v4 =	vshrl.u32 v4, $0x10  }
0xaf: {  	v12 =	vld [tilespmem:s30+$0x70]  }
0xb0: {  	v10 =	vld [tilespmem:s1+$0xFFFFFF00];
	[tilespmem:s31+$0xFFFFFF10] =	vst v13;
	v13 =	vadd.f32 v15, v14;
	v14 =	vand.u32 $0xFFFF0000, v16;
	s1 =	sadd.s32 $0x200, s1  }
0xb1: {  	_ =	sdelay $0x1  }
0xb2: {  	[tilespmem:s31+$0xFFFFFF20] =	vst v2;
	v2 =	vadd.f32 v11, v7  }
0xb3: {  	[tilespmem:s31+$0xFFFFFF30] =	vst v3;
	v7 =	vor.u32 v9, v14;
	v3 =	vand.u32 $0xFFFF0000, v13;
	v8 =	vadd.f32 v12, v8  }
0xb4: {  	s30 =	smul.u32 $0x50, s29;
	[tilespmem:s31+$0x0] =	vst v7;
	v3 =	vor.u32 v6, v3;
	v2 =	vand.u32 $0xFFFF0000, v2;
	v0 =	vadd.f32 v0, v10  }
0xb5: {  	[tilespmem:s31+$0x10] =	vst v3;
	v2 =	vor.u32 v5, v2;
	v3 =	vand.u32 $0xFFFF0000, v8  }
0xb6: {  	s1 =	sadd.s32 s5, s30;
	[tilespmem:s31+$0x20] =	vst v2;
	v0 =	vshrl.u32 v0, $0x10;
	v2 =	vor.u32 v4, v3  }
0xb7: {  	s1 =	sshll.u32 s1, $0x4;
	v0 =	vor.u32 v0, v1;
	[tilespmem:s31+$0x30] =	vst v2  }
0xb8: {  	p1 =	seq.s32 s29, $0x7C;
	s1 =	sadd.s32 s6, s1;
	[tilespmem:s31+$0xFFFFFF00] =	vst v0  }
0xb9: {  	[hbm4b:s1+s4] =	stream.linear.scatter [tilespmem:s21], [sflag:$0x3], $0x1400, $0x38;
	[tilespmem:$0xC700] =	vst v63  }
0xba: {  	s3 =	simm.s32 @!p1 $0x28;
	s14 =	simm.s32 @!p1 $0x4F00;
	s1 =	sadd.s32 @!p1 $0x50, s30  }
0xbb: {  	[tilespmem:s14], [sflag:$0x1] =	stream.indirect.gather @!p1 [hbm4b:s0+s3], $0x80, s1, s3, $0xb8;
	[tilespmem:$0xC700] =	vst v63  }
0xbc: {  	s1 =	sadd.s32 @!p1 $0x27D0, s30;
	s14 =	simm.s32 @!p1 $0x6300  }
0xbd: {  	[tilespmem:s14], [sflag:$0x2] =	stream.indirect.gather @!p1 [hbm4b:s2+s3], $0x80, s1, s3, $0xb8;
	[tilespmem:$0xC700] =	vst v63  }
0xbe: {  	_ =	swait.ge [sflag:s22], $0x1400  }
0xbf: {  	[sflag:s22] =	ssyncset.done $0x0  }
0xc0: {  	[sflag:s22] =	ssyncadd.s32 $0xFFFFEC00  }
0xc1: {  	_ =	swait.ge [sflag:s23], $0x1400  }
0xc2: {  	[sflag:s23] =	ssyncset.done $0x0  }
0xc3: {  	s1 =	simm.s32 @!p0 $0x6;
	[sflag:s23] =	ssyncadd.s32 $0xFFFFEC00  }
0xc4: {  	_ =	swait.ge @!p0 [sflag:s1], $0x1400  }
0xc5: {  	[sflag:s1] =	ssyncset.done @!p0 $0x0  }
0xc6: {  	s14 =	simm.s32 $0x8C00;
	[sflag:s1] =	ssyncadd.s32 @!p0 $0xFFFFEC00  }
0xc7: {  	s31 =	simm.s32 $0xA000;
	v1 =	vld [tilespmem:s14+$0x80]  }
0xc8: {  	v2 =	vld [tilespmem:s31+$0x80]  }
0xc9: {  	v3 =	vld [tilespmem:s14+$0x90]  }
0xca: {  	v4 =	vld [tilespmem:s14+$0xB0]  }
0xcb: {  	v5 =	vld [tilespmem:s31+$0xB0]  }
0xcc: {  	v6 =	vld [tilespmem:s14+$0xF0]  }
0xcd: {  	v7 =	vld [tilespmem:s31+$0xF0]  }
0xce: {  	v8 =	vld [tilespmem:s31+$0x90]  }
0xcf: {  	v9 =	vld [tilespmem:s14+$0xA0]  }
0xd0: {  	v10 =	vld [tilespmem:s31+$0xA0]  }
0xd1: {  	v11 =	vld [tilespmem:s14+$0xC0]  }
0xd2: {  	v12 =	vld [tilespmem:s31+$0xC0]  }
0xd3: {  	v13 =	vld [tilespmem:s14+$0xD0]  }
0xd4: {  	v14 =	vld [tilespmem:s31+$0xD0]  }
0xd5: {  	v15 =	vld [tilespmem:s14+$0xE0]  }
0xd6: {  	v16 =	vld [tilespmem:s31+$0xE0]  }
0xd7: {  	v17 =	vld [tilespmem:s14+$0xFFFFFF10]  }
0xd8: {  	v18 =	vld [tilespmem:s31+$0xFFFFFF10]  }
0xd9: {  	v19 =	vld [tilespmem:s14+$0xFFFFFF20]  }
0xda: {  	v20 =	vld [tilespmem:s31+$0xFFFFFF20]  }
0xdb: {  	v21 =	vld [tilespmem:s14+$0xFFFFFF30]  }
0xdc: {  	v22 =	vld [tilespmem:s31+$0xFFFFFF30]  }
0xdd: {  	v23 =	vld [tilespmem:s14+$0xFFFFFF40]  }
0xde: {  	v24 =	vld [tilespmem:s31+$0xFFFFFF40]  }
0xdf: {  	v25 =	vld [tilespmem:s14+$0xFFFFFF50]  }
0xe0: {  	v26 =	vld [tilespmem:s31+$0xFFFFFF50]  }
0xe1: {  	v27 =	vld [tilespmem:s14+$0xFFFFFF60]  }
0xe2: {  	v28 =	vld [tilespmem:s31+$0xFFFFFF60]  }
0xe3: {  	v29 =	vld [tilespmem:s14+$0xFFFFFF70]  }
0xe4: {  	v30 =	vld [tilespmem:s31+$0xFFFFFF70]  }
0xe5: {  	v31 =	vld [tilespmem:s14+$0xFFFFFF80]  }
0xe6: {  	v32 =	vld [tilespmem:s31+$0xFFFFFF80]  }
0xe7: {  	v33 =	vld [tilespmem:s14+$0xFFFFFF90]  }
0xe8: {  	v34 =	vld [tilespmem:s31+$0xFFFFFF90]  }
0xe9: {  	v35 =	vld [tilespmem:s14+$0xFFFFFFA0]  }
0xea: {  	v36 =	vld [tilespmem:s31+$0xFFFFFFA0]  }
0xeb: {  	v37 =	vld [tilespmem:s14+$0xFFFFFFB0]  }
0xec: {  	v38 =	vld [tilespmem:s31+$0xFFFFFFB0]  }
0xed: {  	v39 =	vld [tilespmem:s14+$0xFFFFFFC0]  }
0xee: {  	v40 =	vld [tilespmem:s31+$0xFFFFFFC0]  }
0xef: {  	v49 =	vld [tilespmem:s31+$0x0];
	v1 =	vadd.f32 v2, v1;
	v2 =	vadd.f32 v5, v4  }
0xf0: {  	v50 =	vld [tilespmem:s14+$0x10];
	v4 =	vadd.f32 v7, v6;
	v3 =	vadd.f32 v8, v3  }
0xf1: {  	v53 =	vld [tilespmem:s31+$0x10];
	v6 =	vadd.f32 v12, v11;
	v8 =	vadd.f32 v10, v9  }
0xf2: {  	v54 =	vld [tilespmem:s14+$0x20];
	v10 =	vadd.f32 v14, v13;
	v12 =	vadd.f32 v18, v17  }
0xf3: {  	v56 =	vld [tilespmem:s31+$0x20];
	v14 =	vadd.f32 v26, v25;
	v51 =	vadd.f32 v22, v21  }
0xf4: {  	v58 =	vld [tilespmem:s14+$0x30];
	v52 =	vadd.f32 v24, v23;
	v55 =	vadd.f32 v34, v33  }
0xf5: {  	v5 =	vld [tilespmem:s14+$0xFFFFFFD0];
	v57 =	vadd.f32 v36, v35;
	v59 =	vadd.f32 v40, v39  }
0xf6: {  	v7 =	vld [tilespmem:s31+$0xFFFFFFD0];
	v2 =	vshrl.u32 v2, $0x10;
	v4 =	vand.u32 $0xFFFF0000, v4;
	v1 =	vshrl.u32 v1, $0x10  }
0xf7: {  	v9 =	vld [tilespmem:s14+$0xFFFFFFE0];
	v3 =	vshrl.u32 v3, $0x10;
	v8 =	vshrl.u32 v8, $0x10;
	v10 =	vand.u32 $0xFFFF0000, v10  }
0xf8: {  	v11 =	vld [tilespmem:s14+$0xFFFFFFF0];
	v14 =	vand.u32 $0xFFFF0000, v14;
	v4 =	vor.u32 v2, v4;
	v2 =	vand.u32 $0xFFFF0000, v6  }
0xf9: {  	v13 =	vld [tilespmem:s31+$0xFFFFFFF0];
	v10 =	vor.u32 v3, v10;
	v3 =	vshrl.u32 v12, $0x10;
	v12 =	vadd.f32 v28, v27  }
0xfa: {  	v18 =	vshrl.u32 v51, $0x10;
	v6 =	vld [tilespmem:s31+$0xFFFFFFE0];
	v1 =	vor.u32 v1, v2;
	v2 =	vadd.f32 v16, v15  }
0xfb: {  	v60 =	vld [tilespmem:s31+$0x30];
	v14 =	vor.u32 v3, v14;
	v3 =	vadd.f32 v30, v29;
	v12 =	vand.u32 $0xFFFF0000, v12  }
0xfc: {  	s3 =	simm.s32 $0xB400;
	v61 =	vld [tilespmem:s31+$0x40];
	v5 =	vadd.f32 v7, v5;
	v7 =	vshrl.u32 v55, $0x10;
	v2 =	vand.u32 $0xFFFF0000, v2  }
0xfd: {  	v62 =	vld [tilespmem:s31+$0x50];
	[tilespmem:s3+$0x90] =	vst v10;
	v3 =	vand.u32 $0xFFFF0000, v3;
	v8 =	vor.u32 v8, v2;
	v2 =	vadd.f32 v20, v19  }
0xfe: {  	[tilespmem:s3+$0x80] =	vst v1;
	v1 =	vadd.f32 v38, v37;
	v10 =	vadd.f32 v13, v11;
	v13 =	vld [tilespmem:s14+$0x50];
	v3 =	vor.u32 v18, v3  }
0xff: {  	v5 =	vand.u32 $0xFFFF0000, v5;
	v6 =	vadd.f32 v6, v9;
	v9 =	vld [tilespmem:s14+$0x40];
	v2 =	vshrl.u32 v2, $0x10  }
0x100: {  	v15 =	vld [tilespmem:s14+$0x0];
	v5 =	vor.u32 v7, v5;
	v2 =	vor.u32 v2, v12;
	v12 =	vadd.f32 v32, v31  }
0x101: {  	v18 =	vand.u32 $0xFFFF0000, v59;
	v1 =	vshrl.u32 v1, $0x10;
	[tilespmem:s3+$0xFFFFFF90] =	vst v5;
	v5 =	vadd.f32 v53, v50  }
0x102: {  	v0 =	vld [tilespmem:s31+$0xFFFFFF00];
	[tilespmem:s3+$0xB0] =	vst v4;
	v6 =	vand.u32 $0xFFFF0000, v6;
	v4 =	vshrl.u32 v12, $0x10;
	v12 =	vshrl.u32 v57, $0x10  }
0x103: {  	v11 =	vld [tilespmem:s31+$0x60];
	[tilespmem:s3+$0xA0] =	vst v8;
	v13 =	vadd.f32 v62, v13;
	v4 =	vor.u32 v4, v18;
	v6 =	vor.u32 v12, v6  }
0x104: {  	v7 =	vld [tilespmem:s14+$0x60];
	v12 =	vadd.f32 v56, v54;
	v63 =	vadd.f32 v61, v9;
	[tilespmem:s3+$0xFFFFFF80] =	vst v4;
	v4 =	vand.u32 $0xFFFF0000, v10  }
0x105: {  	v8 =	vld [tilespmem:s14+$0x70];
	v10 =	vadd.f32 v49, v15;
	[tilespmem:s3+$0xFFFFFFA0] =	vst v6;
	v15 =	vadd.f32 v60, v58;
	v4 =	vor.u32 v1, v4  }
0x106: {  	v6 =	vshrl.u32 v5, $0x10;
	v1 =	vand.u32 $0xFFFF0000, v52;
	v5 =	vshrl.u32 v12, $0x10;
	v12 =	vld [tilespmem:s31+$0x70];
	[tilespmem:s3+$0xFFFFFFB0] =	vst v4  }
0x107: {  	s1 =	simm.s32 $0x0;
	v9 =	vshrl.u32 v10, $0x10;
	v10 =	vld [tilespmem:s14+$0xFFFFFF00];
	v4 =	vshrl.u32 v15, $0x10;
	[tilespmem:s3+$0xFFFFFF10] =	vst v14;
	v14 =	vand.u32 $0xFFFF0000, v63;
	s14 =	simm.s32 $0x8E00  }
.LBB2_5:
0x108: {  	v15 =	vld [tilespmem:s14+$0x80];
	[tilespmem:s3+$0xFFFFFF20] =	vst v2;
	v2 =	vor.u32 v9, v14;
	s31 =	sadd.s32 $0x200, s31  }
0x109: {  	v9 =	vld [tilespmem:s31+$0x80];
	[tilespmem:s3+$0xFFFFFF30] =	vst v3;
	v3 =	vadd.f32 v11, v7;
	v7 =	vand.u32 $0xFFFF0000, v13  }
0x10a: {  	v11 =	vld [tilespmem:s14+$0x90];
	[tilespmem:s3+$0x0] =	vst v2;
	v2 =	vor.u32 v6, v7  }
0x10b: {  	v6 =	vld [tilespmem:s14+$0xB0];
	v7 =	vadd.f32 v12, v8;
	[tilespmem:s3+$0x10] =	vst v2;
	v2 =	vand.u32 $0xFFFF0000, v3  }
0x10c: {  	v3 =	vld [tilespmem:s31+$0xB0];
	v0 =	vadd.f32 v0, v10;
	v2 =	vor.u32 v5, v2  }
0x10d: {  	v5 =	vld [tilespmem:s14+$0xF0];
	[tilespmem:s3+$0x20] =	vst v2;
	v2 =	vand.u32 $0xFFFF0000, v7  }
0x10e: {  	s1 =	sadd.s32 $0x4, s1;
	v7 =	vadd.f32 v9, v15;
	v8 =	vld [tilespmem:s31+$0xF0];
	v0 =	vshrl.u32 v0, $0x10;
	v2 =	vor.u32 v4, v2  }
0x10f: {  	p0 =	slt.u32 s1, $0x24;
	v4 =	vld [tilespmem:s31+$0x90];
	v0 =	vor.u32 v0, v1;
	[tilespmem:s3+$0x30] =	vst v2  }
0x110: {  	v1 =	vld [tilespmem:s14+$0xA0];
	v2 =	vshrl.u32 v7, $0x10;
	[tilespmem:s3+$0xFFFFFF00] =	vst v0  }
0x111: {  	v0 =	vld [tilespmem:s31+$0xA0]  }
0x112: {  	v7 =	vld [tilespmem:s14+$0xC0]  }
0x113: {  	v3 =	vadd.f32 v3, v6;
	v6 =	vld [tilespmem:s31+$0xC0];
	v5 =	vadd.f32 v8, v5  }
0x114: {  	v4 =	vadd.f32 v4, v11;
	v8 =	vld [tilespmem:s14+$0xD0]  }
0x115: {  	v3 =	vshrl.u32 v3, $0x10;
	v9 =	vld [tilespmem:s31+$0xD0];
	v5 =	vand.u32 $0xFFFF0000, v5  }
0x116: {  	s3 =	sadd.s32 $0x200, s3;
	v1 =	vadd.f32 v0, v1;
	v10 =	vld [tilespmem:s14+$0xE0];
	v4 =	vshrl.u32 v4, $0x10;
	v0 =	vor.u32 v3, v5  }
0x117: {  	v3 =	vld [tilespmem:s31+$0xE0];
	[tilespmem:s3+$0xB0] =	vst v0  }
0x118: {  	v0 =	vld [tilespmem:s31+$0xFFFFFF00];
	v5 =	vadd.f32 v6, v7;
	v1 =	vshrl.u32 v1, $0x10  }
0x119: {  	v6 =	vld [tilespmem:s14+$0xFFFFFF10]  }
0x11a: {  	v7 =	vld [tilespmem:s31+$0xFFFFFF10];
	v8 =	vadd.f32 v9, v8;
	v5 =	vand.u32 $0xFFFF0000, v5  }
0x11b: {  	v9 =	vld [tilespmem:s14+$0xFFFFFF20];
	v2 =	vor.u32 v2, v5  }
0x11c: {  	v5 =	vld [tilespmem:s31+$0xFFFFFF20];
	v3 =	vadd.f32 v3, v10;
	[tilespmem:s3+$0x80] =	vst v2;
	v2 =	vand.u32 $0xFFFF0000, v8  }
0x11d: {  	v8 =	vld [tilespmem:s14+$0xFFFFFF30];
	v2 =	vor.u32 v4, v2  }
0x11e: {  	v4 =	vld [tilespmem:s31+$0xFFFFFF30];
	[tilespmem:s3+$0x90] =	vst v2;
	v2 =	vand.u32 $0xFFFF0000, v3  }
0x11f: {  	v3 =	vadd.f32 v7, v6;
	v6 =	vld [tilespmem:s14+$0xFFFFFF40];
	v1 =	vor.u32 v1, v2  }
0x120: {  	v2 =	vld [tilespmem:s31+$0xFFFFFF40];
	[tilespmem:s3+$0xA0] =	vst v1  }
0x121: {  	v1 =	vadd.f32 v5, v9;
	v5 =	vld [tilespmem:s14+$0xFFFFFF50];
	v3 =	vshrl.u32 v3, $0x10  }
0x122: {  	v7 =	vld [tilespmem:s31+$0xFFFFFF50]  }
0x123: {  	v4 =	vadd.f32 v4, v8;
	v8 =	vld [tilespmem:s14+$0xFFFFFF60];
	v9 =	vshrl.u32 v1, $0x10  }
0x124: {  	v10 =	vld [tilespmem:s31+$0xFFFFFF60]  }
0x125: {  	v1 =	vadd.f32 v2, v6;
	v2 =	vld [tilespmem:s14+$0xFFFFFF70];
	v4 =	vshrl.u32 v4, $0x10  }
0x126: {  	v6 =	vld [tilespmem:s31+$0xFFFFFF70]  }
0x127: {  	v5 =	vadd.f32 v7, v5;
	v1 =	vand.u32 $0xFFFF0000, v1;
	v7 =	vld [tilespmem:s14+$0xFFFFFF80]  }
0x128: {  	v11 =	vld [tilespmem:s31+$0xFFFFFF80]  }
0x129: {  	v8 =	vadd.f32 v10, v8;
	v5 =	vand.u32 $0xFFFF0000, v5;
	v10 =	vld [tilespmem:s14+$0xFFFFFF90]  }
0x12a: {  	v13 =	vor.u32 v3, v5;
	v5 =	vld [tilespmem:s31+$0xFFFFFF90]  }
0x12b: {  	v3 =	vadd.f32 v6, v2;
	v2 =	vand.u32 $0xFFFF0000, v8;
	v6 =	vld [tilespmem:s14+$0xFFFFFFA0]  }
0x12c: {  	v2 =	vor.u32 v9, v2;
	v8 =	vld [tilespmem:s31+$0xFFFFFFA0]  }
0x12d: {  	v3 =	vand.u32 $0xFFFF0000, v3;
	v7 =	vadd.f32 v11, v7;
	v9 =	vld [tilespmem:s14+$0xFFFFFFB0]  }
0x12e: {  	v3 =	vor.u32 v4, v3;
	v4 =	vld [tilespmem:s31+$0xFFFFFFB0]  }
0x12f: {  	v5 =	vadd.f32 v5, v10;
	v10 =	vld [tilespmem:s14+$0xFFFFFFC0];
	v7 =	vshrl.u32 v7, $0x10  }
0x130: {  	v11 =	vld [tilespmem:s31+$0xFFFFFFC0]  }
0x131: {  	v6 =	vadd.f32 v8, v6;
	v8 =	vld [tilespmem:s14+$0xFFFFFFD0];
	v5 =	vshrl.u32 v5, $0x10  }
0x132: {  	v12 =	vld [tilespmem:s31+$0xFFFFFFD0]  }
0x133: {  	v4 =	vadd.f32 v4, v9;
	v9 =	vld [tilespmem:s14+$0xFFFFFFE0];
	v6 =	vshrl.u32 v6, $0x10  }
0x134: {  	v14 =	vld [tilespmem:s31+$0xFFFFFFE0]  }
0x135: {  	v10 =	vadd.f32 v11, v10;
	v11 =	vld [tilespmem:s14+$0xFFFFFFF0];
	v4 =	vshrl.u32 v4, $0x10  }
0x136: {  	v15 =	vld [tilespmem:s31+$0xFFFFFFF0]  }
0x137: {  	v8 =	vadd.f32 v12, v8;
	v10 =	vand.u32 $0xFFFF0000, v10;
	v12 =	vld [tilespmem:s14+$0x0]  }
0x138: {  	v7 =	vor.u32 v7, v10;
	v10 =	vld [tilespmem:s31+$0x0]  }
0x139: {  	v9 =	vadd.f32 v14, v9;
	[tilespmem:s3+$0xFFFFFF80] =	vst v7;
	v7 =	vand.u32 $0xFFFF0000, v8;
	v8 =	vld [tilespmem:s14+$0x10]  }
0x13a: {  	v5 =	vor.u32 v5, v7;
	v7 =	vld [tilespmem:s31+$0x10]  }
0x13b: {  	v11 =	vadd.f32 v15, v11;
	[tilespmem:s3+$0xFFFFFF90] =	vst v5;
	v5 =	vand.u32 $0xFFFF0000, v9;
	v14 =	vld [tilespmem:s14+$0x20]  }
0x13c: {  	v5 =	vor.u32 v6, v5;
	v6 =	vld [tilespmem:s31+$0x20]  }
0x13d: {  	[tilespmem:s3+$0xFFFFFFA0] =	vst v5;
	v5 =	vand.u32 $0xFFFF0000, v11;
	v9 =	vadd.f32 v10, v12;
	v10 =	vld [tilespmem:s14+$0x30]  }
0x13e: {  	v4 =	vor.u32 v4, v5;
	v5 =	vld [tilespmem:s31+$0x30]  }
0x13f: {  	[tilespmem:s3+$0xFFFFFFB0] =	vst v4;
	v4 =	vadd.f32 v7, v8;
	v8 =	vld [tilespmem:s14+$0x40];
	v9 =	vshrl.u32 v9, $0x10  }
0x140: {  	v12 =	vld [tilespmem:s31+$0x40]  }
0x141: {  	v11 =	vadd.f32 v6, v14;
	v14 =	vld [tilespmem:s14+$0x50];
	v6 =	vshrl.u32 v4, $0x10  }
0x142: {  	v15 =	vld [tilespmem:s31+$0x50]  }
.Ltmp3:
0x143: {  	v4 =	vadd.f32 v5, v10;
	v7 =	vld [tilespmem:s14+$0x60];
	v5 =	vshrl.u32 v11, $0x10;
	(pc) =	sbr.rel @p0 .LBB2_5-.Ltmp3, $4  }
0x144: {  	v11 =	vld [tilespmem:s31+$0x60]  }
0x145: {  	v16 =	vadd.f32 v12, v8;
	v8 =	vld [tilespmem:s14+$0x70];
	v4 =	vshrl.u32 v4, $0x10  }
0x146: {  	v12 =	vld [tilespmem:s31+$0x70]  }
0x147: {  	v10 =	vld [tilespmem:s14+$0xFFFFFF00];
	[tilespmem:s3+$0xFFFFFF10] =	vst v13;
	v13 =	vadd.f32 v15, v14;
	v14 =	vand.u32 $0xFFFF0000, v16;
	s14 =	sadd.s32 $0x200, s14  }
0x148: {  	_ =	sdelay $0x1  }
0x149: {  	[tilespmem:s3+$0xFFFFFF20] =	vst v2;
	v59 =	vadd.f32 v11, v7  }
0x14a: {  	v60 =	vor.u32 v9, v14;
	[tilespmem:s3+$0xFFFFFF30] =	vst v3;
	v61 =	vand.u32 $0xFFFF0000, v13;
	v8 =	vadd.f32 v12, v8  }
0x14b: {  	[tilespmem:s3+$0x0] =	vst v60;
	v3 =	vor.u32 v6, v61;
	v2 =	vand.u32 $0xFFFF0000, v59;
	v0 =	vadd.f32 v0, v10  }
.Ltmp4:
0x14c: {  	[tilespmem:s3+$0x10] =	vst v3;
	v2 =	vor.u32 v5, v2;
	v62 =	vand.u32 $0xFFFF0000, v8;
	(pc) =	sbr.rel @p1 .LBB2_8-.Ltmp4, $4  }
0x14d: {  	s1 =	sadd.s32 s30, s9;
	[tilespmem:s3+$0x20] =	vst v2;
	v0 =	vshrl.u32 v0, $0x10;
	v63 =	vor.u32 v4, v62  }
0x14e: {  	s1 =	sshll.u32 s1, $0x4;
	v0 =	vor.u32 v0, v1;
	[tilespmem:s3+$0x30] =	vst v63  }
0x14f: {  	s1 =	sadd.s32 s6, s1;
	[tilespmem:s3+$0xFFFFFF00] =	vst v0  }
0x150: {  	[hbm4b:s1+s4] =	stream.linear.scatter [tilespmem:s24], [sflag:$0x6], $0x1400, $0x38;
	[tilespmem:$0xC700] =	vst v63  }
.Ltmp5:
0x151: {  	(pc) =	sbr.rel .LBB2_2-.Ltmp5, $4  }
0x152: {  	s1 =	sadd.s32 $0x78, s30  }
0x153: {  	[tilespmem:s16], [sflag:$0x4] =	stream.indirect.gather [hbm4b:s0+s13], $0x80, s1, s13, $0xb8;
	[tilespmem:$0xC700] =	vst v63  }
0x154: {  	s31 =	sadd.s32 $0x27F8, s30;
	s29 =	sadd.s32 $0x1, s29  }
0x155: {  	[tilespmem:s18], [sflag:$0x5] =	stream.indirect.gather [hbm4b:s2+s13], $0x80, s31, s13, $0xb8;
	[tilespmem:$0xC700] =	vst v63  }
.LBB2_9:
0x156: {  	_ =	sfence.sel $0x180000  }
0x157: {  	[bflag:$0x0] =	sbarrier.arrive $0xFFFF  }
0x158: {  	_ =	strace $0x90000047  }
0x159: {  	s0 =	stileid.u32;
	[bflag:$0x2] =	sbarrier.arrive $0xFFFF  }
0x15a: {  	p0 =	sne.s32 s0, $0x0;
	s0 =	rddreg [dreg:$0x5]  }
0x15b: {  	s0 =	sadd.s32 @!p0 $0x100000, s0  }
0x15c: {  	[sflag:s0] =	ssyncadd.tile.s32 @!p0 $0x1;
	_ =	shalt  }
.Lfunc_end2:
_tile_overlayer_lowered:
.L_overlay_start_2:
0x15d: {  	(tag) =	ssettag $0x2  }
0x15e: {  	s0 =	rddreg [dreg:$0x0];
	s2 =	stileid.u32  }
0x15f: {  	s1 =	rddreg [dreg:$0x1];
	p0 =	sne.s32 s2, $0x0  }
0x160: {  	s3 =	rddreg [dreg:$0x2];
	[bflag:$0x3] =	sbarrier.arrive $0xFFFF;
	s2 =	simm.s32 @!p0 $0x1C07  }
0x161: {  	[timem:s3], [sflag:s2] =	dma.local @!p0 [hbm:s0], s1  }
0x162: {  	s0 =	simm.s32 @!p0 $0x7  }
0x163: {  	_ =	swait.ge @!p0 [sflag:s0], s1  }
0x164: {  	s1 =	ssub.s32 @!p0 $0x0, s1;
	[sflag:s0] =	ssyncset.done @!p0 $0x0  }
0x165: {  	[sflag:s0] =	ssyncadd.s32 @!p0 s1  }
0x166: {  	[bflag:$0x3] =	sbarrier.arrive $0xFFFF  }
0x167: {  	_ =	shalt  }

</sc_bundles>
